<compile_context>
chip_gen: v7x
topology: tpu7x:2x2x1
jax: 0.10.2.dev20260603
libtpu: 0.0.44.dev20260713+nightly
codegen_flags: <defaults>
</compile_context>

<pallas_src>
import functools

import jax
import jax.numpy as jnp
from jax import lax
from jax.experimental import pallas as pl
from jax.experimental.pallas import tpu as pltpu
from jax.experimental.pallas import tpu_sc as plsc

N = 10000
E = 160000
D = 256
B = 64
NT = 64
ET = 8

NC = 2
NS = 16
LANES = 16

EP = 163840
PAD = EP - E
EDGES_A = EP // (NC * NS)
ROWS_A = EDGES_A // 128
EDGES_B = EP // NS
ROWS_B = EDGES_B // 128

NPAD = N + 240
C2_SH = NPAD * NT
C_SH = NPAD * ET
C2_REAL = N * NT
C_REAL = N * ET
C2_T = 40960
C2_LAST = C2_REAL - C2_T
C_T = 5120
C_LAST = C_REAL - C_T
NROW_T = 640
NROW_LAST = N - NROW_T

_mesh = plsc.VectorSubcoreMesh(core_axis_name="c", subcore_axis_name="s")


@functools.partial(
    pl.kernel,
    out_type=(
        jax.ShapeDtypeStruct((NC * C2_REAL,), jnp.float32),
        jax.ShapeDtypeStruct((NC * C_REAL,), jnp.float32),
    ),
    mesh=_mesh,
    scratch_types=[
        pltpu.VMEM((N,), jnp.int32),
        pltpu.VMEM((ROWS_A, 128), jnp.int32),
        pltpu.VMEM((ROWS_A, 128), jnp.int32),
        pltpu.VMEM((ROWS_A, 128), jnp.int32),
        pltpu.VMEM((ROWS_A, 128), jnp.int32),
        pltpu.VMEM((ROWS_A, 128), jnp.int32),
        pltpu.VMEM((128,), jnp.float32),
        pltpu.VMEM_SHARED((C2_SH,), jnp.float32),
        pltpu.VMEM_SHARED((C_SH,), jnp.float32),
    ],
    compiler_params=pltpu.CompilerParams(needs_layout_passes=False),
)
def _counts_kernel(srcp, dstp, etp, nts, zeros_hbm, out_c2, out_c,
                   nt_v, src_v, dst_v, et_v, idx2_v, idxc_v, ones_v,
                   c2_sh, c_sh):
    c = lax.axis_index("c")
    s = lax.axis_index("s")
    c2_off = pl.multiple_of(jnp.minimum(s * C2_T, C2_LAST), 128)
    c_off = pl.multiple_of(jnp.minimum(s * C_T, C_LAST), 128)

    pltpu.sync_copy(zeros_hbm.at[pl.ds(c2_off, C2_T)],
                    c2_sh.at[pl.ds(c2_off, C2_T)])
    pltpu.sync_copy(zeros_hbm.at[pl.ds(c_off, C_T)],
                    c_sh.at[pl.ds(c_off, C_T)])

    pltpu.sync_copy(nts, nt_v)
    pltpu.sync_copy(srcp.at[c, s], src_v)
    pltpu.sync_copy(dstp.at[c, s], dst_v)
    pltpu.sync_copy(etp.at[c, s], et_v)

    for k in range(8):
        ones_v[pl.ds(k * LANES, LANES)] = jnp.ones((LANES,), jnp.float32)

    def idx_body(r, carry):
        for k in range(8):
            sl = pl.ds(k * LANES, LANES)
            sv = src_v[r, sl]
            nt16 = plsc.load_gather(nt_v, [sv])
            dv = dst_v[r, sl]
            ev = et_v[r, sl]
            idx2_v[r, sl] = dv * NT + nt16
            idxc_v[r, sl] = dv * ET + ev
        return carry

    lax.fori_loop(0, ROWS_A, idx_body, 0)
    plsc.subcore_barrier()

    def add_body(r, carry):
        pltpu.sync_copy(ones_v, c2_sh.at[idx2_v.at[r]], add=True)
        pltpu.sync_copy(ones_v, c_sh.at[idxc_v.at[r]], add=True)
        return carry

    lax.fori_loop(0, ROWS_A, add_body, 0)
    plsc.subcore_barrier()

    pltpu.sync_copy(
        c2_sh.at[pl.ds(c2_off, C2_T)],
        out_c2.at[pl.ds(pl.multiple_of(c * C2_REAL + c2_off, 128), C2_T)])
    pltpu.sync_copy(
        c_sh.at[pl.ds(c_off, C_T)],
        out_c.at[pl.ds(pl.multiple_of(c * C_REAL + c_off, 128), C_T)])


HROWS = ROWS_B // 2
@functools.partial(
    pl.kernel,
    out_type=jax.ShapeDtypeStruct((NC, N, 128), jnp.float32),
    mesh=_mesh,
    scratch_types=[
        pltpu.VMEM((HROWS, 128), jnp.int32),
        pltpu.VMEM((ROWS_B, 128), jnp.int32),
        pltpu.VMEM((2, 128, 128), jnp.float32),
        pltpu.VMEM_SHARED((N + 64, 128), jnp.float32),
        pltpu.SemaphoreType.DMA,
    ],
)
def _spmm_kernel(hw_flat, srcb, dstb, zeros2d, out,
                 src_v, dst_v, rows_v, agg_sh, gsem):
    c = lax.axis_index("c")
    s = lax.axis_index("s")
    r_off = pl.multiple_of(jnp.minimum(s * NROW_T, NROW_LAST), 8)

    pltpu.sync_copy(zeros2d.at[pl.ds(r_off, NROW_T)],
                    agg_sh.at[pl.ds(r_off, NROW_T)])
    pltpu.sync_copy(dstb.at[s], dst_v)
    plsc.subcore_barrier()

    for h in range(2):
        pltpu.sync_copy(srcb.at[c, s, h], src_v)
        pltpu.async_copy(hw_flat.at[src_v.at[0]], rows_v.at[0], gsem)

        def body(j, carry):
            nxt = j + 1

            @pl.when(nxt < HROWS)
            def _():
                pltpu.async_copy(hw_flat.at[src_v.at[nxt]],
                                 rows_v.at[lax.rem(nxt, 2)], gsem)

            b = lax.rem(j, 2)
            pltpu.make_async_copy(hw_flat.at[src_v.at[j]],
                                  rows_v.at[b], gsem).wait()
            pltpu.sync_copy(rows_v.at[b],
                            agg_sh.at[dst_v.at[h * HROWS + j]], add=True)
            return carry

        lax.fori_loop(0, HROWS, body, 0)

    plsc.subcore_barrier()
    pltpu.sync_copy(agg_sh.at[pl.ds(r_off, NROW_T)],
                    out.at[c, pl.ds(r_off, NROW_T)])


def _layer1_body(nts_ref, c2a_ref, c2b_ref, ca_ref, cb_ref, nemb_ref,
                 eemb_ref, wm_ref, ws_ref, hw_ref, z_ref):
    f32 = jnp.float32
    t0 = jnp.dot(nemb_ref[...], wm_ref[0], preferred_element_type=f32)
    tw0 = jnp.dot(eemb_ref[...], wm_ref[0], preferred_element_type=f32)
    tw1 = jnp.dot(eemb_ref[...], wm_ref[1], preferred_element_type=f32)
    s0 = jnp.dot(nemb_ref[...], ws_ref[0], preferred_element_type=f32)

    c2 = c2a_ref[0] + c2b_ref[0]
    cc = ca_ref[0] + cb_ref[0]
    nt = nts_ref[0, 0, :]
    oh = (nt[:, None] == lax.broadcasted_iota(jnp.int32, (nt.shape[0], NT), 1)
          ).astype(f32)
    acc = jnp.dot(oh, s0, preferred_element_type=f32)
    acc += jnp.dot(c2, t0, preferred_element_type=f32)
    acc += jnp.dot(cc, tw0, preferred_element_type=f32)
    h1 = jnp.maximum(acc, 0.0)
    hw = jnp.dot(h1, wm_ref[1], preferred_element_type=f32)
    hw_ref[0] = hw[:, :128]
    hw_ref[1] = hw[:, 128:]
    z_ref[...] = (jnp.dot(h1, ws_ref[1], preferred_element_type=f32)
                  + jnp.dot(cc, tw1, preferred_element_type=f32))


def _layer1(nts_r, c2p, cp, node_emb, edge_emb, w_msg, w_self):
    nb = 10
    blk = N // nb
    return pl.pallas_call(
        _layer1_body,
        grid=(nb,),
        in_specs=[
            pl.BlockSpec((1, 1, blk), lambda i: (i, 0, 0)),
            pl.BlockSpec((1, blk, NT), lambda i: (0, i, 0)),
            pl.BlockSpec((1, blk, NT), lambda i: (1, i, 0)),
            pl.BlockSpec((1, blk, ET), lambda i: (0, i, 0)),
            pl.BlockSpec((1, blk, ET), lambda i: (1, i, 0)),
            pl.BlockSpec((NT, D), lambda i: (0, 0)),
            pl.BlockSpec((ET, D), lambda i: (0, 0)),
            pl.BlockSpec((2, D, D), lambda i: (0, 0, 0)),
            pl.BlockSpec((2, D, D), lambda i: (0, 0, 0)),
        ],
        out_specs=[
            pl.BlockSpec((2, blk, 128), lambda i: (0, i, 0)),
            pl.BlockSpec((blk, D), lambda i: (i, 0)),
        ],
        out_shape=[
            jax.ShapeDtypeStruct((2, N, 128), jnp.float32),
            jax.ShapeDtypeStruct((N, D), jnp.float32),
        ],
    )(nts_r, c2p, c2p, cp, cp, node_emb, edge_emb, w_msg, w_self)


def _readout_body(z_ref, agg0_ref, agg1_ref, gid_ref,
                  tgt_ref, pooled_ref, cnt_ref, tgte_ref):
    f32 = jnp.float32
    i = pl.program_id(0)
    blk = z_ref.shape[0]
    agg = jnp.concatenate([agg0_ref[0], agg1_ref[0]], axis=1)
    h2 = jnp.maximum(z_ref[...] + agg, 0.0)

    gids = gid_ref[0, 0, :]
    g_oh = (gids[None, :] == lax.broadcasted_iota(jnp.int32, (B, blk), 0)
            ).astype(f32)
    rows = i * blk + lax.broadcasted_iota(jnp.int32, (B, blk), 1)
    t_oh = (tgt_ref[0, :][:, None] == rows).astype(f32)

    pooled_c = jnp.dot(g_oh, h2, preferred_element_type=f32)
    cnt_c = jnp.broadcast_to(jnp.sum(g_oh, axis=1)[:, None], (B, D))
    tgt_c = jnp.dot(t_oh, h2, preferred_element_type=f32)

    @pl.when(i == 0)
    def _():
        pooled_ref[...] = pooled_c
        cnt_ref[...] = cnt_c
        tgte_ref[...] = tgt_c

    @pl.when(i > 0)
    def _():
        pooled_ref[...] += pooled_c
        cnt_ref[...] += cnt_c
        tgte_ref[...] += tgt_c


def _readout(z1, aggp, gid_r, tgt_r):
    nb = 10
    blk = N // nb
    return pl.pallas_call(
        _readout_body,
        grid=(nb,),
        in_specs=[
            pl.BlockSpec((blk, D), lambda i: (i, 0)),
            pl.BlockSpec((1, blk, 128), lambda i: (0, i, 0)),
            pl.BlockSpec((1, blk, 128), lambda i: (1, i, 0)),
            pl.BlockSpec((1, 1, blk), lambda i: (i, 0, 0)),
            pl.BlockSpec((1, B), lambda i: (0, 0)),
        ],
        out_specs=[
            pl.BlockSpec((B, D), lambda i: (0, 0)),
            pl.BlockSpec((B, D), lambda i: (0, 0)),
            pl.BlockSpec((B, D), lambda i: (0, 0)),
        ],
        out_shape=[
            jax.ShapeDtypeStruct((B, D), jnp.float32),
            jax.ShapeDtypeStruct((B, D), jnp.float32),
            jax.ShapeDtypeStruct((B, D), jnp.float32),
        ],
    )(z1, aggp, aggp, gid_r, tgt_r)


def _head_body(pooled_ref, cnt_ref, tgte_ref, wg_ref, out_ref):
    ge = jnp.tanh(jnp.dot(pooled_ref[...] / jnp.maximum(cnt_ref[...], 1.0),
                          wg_ref[...], preferred_element_type=jnp.float32))
    out_ref[...] = jnp.concatenate([ge, tgte_ref[...]], axis=1)


def _head(pooled, cnt, tgte, w_g):
    return pl.pallas_call(
        _head_body,
        out_shape=jax.ShapeDtypeStruct((B, 2 * D), jnp.float32),
    )(pooled, cnt, tgte, w_g)


def kernel(node_types, edge_index, edge_types, graph_ids, target_idx,
           node_emb, edge_emb, W_msg, W_self, W_g):
    i32 = jnp.int32
    src = edge_index[0].astype(i32)
    dst = edge_index[1].astype(i32)
    et = edge_types.astype(i32)

    pad_ar = jnp.arange(PAD, dtype=i32)
    src_p = jnp.concatenate([src, pad_ar % N])
    dst_p = jnp.concatenate([dst, N + (pad_ar % 64)])
    et_p = jnp.concatenate([et, jnp.zeros((PAD,), i32)])

    srcp_a = src_p.reshape(NC, NS, ROWS_A, 128)
    dstp_a = dst_p.reshape(NC, NS, ROWS_A, 128)
    etp_a = et_p.reshape(NC, NS, ROWS_A, 128)

    srcb = jnp.stack([src_p, src_p + N]).reshape(NC, NS, 2, HROWS, 128)
    dstb = dst_p.reshape(NS, ROWS_B, 128)

    zeros1d = jnp.zeros((C2_REAL,), jnp.float32)
    zeros2d = jnp.zeros((N, 128), jnp.float32)

    nts = node_types.astype(i32)
    c2p, cp = _counts_kernel(srcp_a, dstp_a, etp_a, nts, zeros1d)
    c2p = c2p.reshape(NC, N, NT)
    cp = cp.reshape(NC, N, ET)

    nts_r = nts.reshape(10, 1, N // 10)
    hw_pair, z1 = _layer1(nts_r, c2p, cp, node_emb, edge_emb, W_msg, W_self)

    hw_flat = hw_pair.reshape(NC * N, 128)
    aggp = _spmm_kernel(hw_flat, srcb, dstb, zeros2d)

    gid_r = graph_ids.astype(i32).reshape(10, 1, N // 10)
    tgt_r = target_idx.astype(i32).reshape(1, B)
    pooled, cnt, tgte = _readout(z1, aggp, gid_r, tgt_r)

    return _head(pooled, cnt, tgte, W_g)

# --- scband reference (transcript-rebuilt; emitter-appended) ---
"""Pipeline reference for scband-gnn-classifier-base-30150670418431 (READ-ONLY COPY).

The authoritative reference and input builder live on the scoring server;
editing this copy changes nothing except your own understanding.
"""

import jax, jax.numpy as jnp
import numpy as np

N = 10000   # total nodes (packed batch of graphs)
E = 160000  # total edges
D = 256     # latent_dim
B = 64      # number of graphs in the batch
NT = 64     # num_node_types
ET = 8      # num_edge_types
L = 2       # num message-passing layers


def setup_inputs(seed: int = 0) -> dict:
    key = jax.random.key(seed)
    ks = jax.random.split(key, 10)
    node_types = jax.random.randint(ks[0], (N,), 0, NT)
    edge_index = jax.random.randint(ks[1], (2, E), 0, N)
    edge_types = jax.random.randint(ks[2], (E,), 0, ET)
    graph_ids = jnp.sort(jax.random.randint(ks[3], (N,), 0, B))
    target_idx = jax.random.randint(ks[4], (B,), 0, N)
    # learned parameters of the GNN
    node_emb = jax.random.normal(ks[5], (NT, D), dtype=jnp.float32) * 0.1
    edge_emb = jax.random.normal(ks[6], (ET, D), dtype=jnp.float32) * 0.1
    W_msg = jax.random.normal(ks[7], (L, D, D), dtype=jnp.float32) * (1.0 / np.sqrt(D))
    W_self = jax.random.normal(ks[8], (L, D, D), dtype=jnp.float32) * (1.0 / np.sqrt(D))
    W_g = jax.random.normal(ks[9], (D, D), dtype=jnp.float32) * (1.0 / np.sqrt(D))
    return {
        "node_types": node_types,
        "edge_index": edge_index,
        "edge_types": edge_types,
        "graph_ids": graph_ids,
        "target_idx": target_idx,
        "node_emb": node_emb,
        "edge_emb": edge_emb,
        "W_msg": W_msg,
        "W_self": W_self,
        "W_g": W_g,
    }


def reference(node_types, edge_index, edge_types, graph_ids, target_idx,
              node_emb, edge_emb, W_msg, W_self, W_g):
    # node feature lookup (self.gnn embeds node types)
    h = jnp.take(node_emb, node_types, axis=0)          # [N, D]
    src = edge_index[0]
    dst = edge_index[1]
    eemb = jnp.take(edge_emb, edge_types, axis=0)       # [E, D]
    # typed message passing layers
    for l in range(L):
        msg = (jnp.take(h, src, axis=0) + eemb) @ W_msg[l]        # [E, D]
        agg = jax.ops.segment_sum(msg, dst, num_segments=N)       # [N, D]
        h = jax.nn.relu(h @ W_self[l] + agg)
    # graph-level readout: mean pooling over nodes of each graph
    counts = jax.ops.segment_sum(jnp.ones((N, 1), dtype=h.dtype), graph_ids, num_segments=B)
    graph_embed = jax.ops.segment_sum(h, graph_ids, num_segments=B) / jnp.maximum(counts, 1.0)
    graph_embed = jnp.tanh(graph_embed @ W_g)                     # [B, D]
    # has_anchor=True: gather target (anchor) node embeddings and concat
    target_embed = jnp.take(h, target_idx, axis=0)                # [B, D]
    return jnp.concatenate([graph_embed, target_embed], axis=1)   # [B, 2D]

if __name__ == "__main__":
    import jax
    _d = setup_inputs()
    print(jax.jit(kernel)(*tuple(_d.values())))

</pallas_src>

<mosaic_0001>
#map = affine_map<(d0, d1) -> (0, 0, 0, 0)>
#map1 = affine_map<(d0, d1) -> (0)>
module attributes {stable_mosaic.version = 14 : i64} {
  func.func @_counts_kernel(%arg0: i32, %arg1: i32, %arg2: memref<2x16x40x128xi32, #tpu.memory_space<hbm>>, %arg3: memref<2x16x40x128xi32, #tpu.memory_space<hbm>>, %arg4: memref<2x16x40x128xi32, #tpu.memory_space<hbm>>, %arg5: memref<10000xi32, #tpu.memory_space<hbm>>, %arg6: memref<640000xf32, #tpu.memory_space<hbm>>, %arg7: memref<1280000xf32, #tpu.memory_space<hbm>>, %arg8: memref<160000xf32, #tpu.memory_space<hbm>>, %arg9: memref<10000xi32, #tpu.memory_space<vmem>>, %arg10: memref<40x128xi32, #tpu.memory_space<vmem>>, %arg11: memref<40x128xi32, #tpu.memory_space<vmem>>, %arg12: memref<40x128xi32, #tpu.memory_space<vmem>>, %arg13: memref<40x128xi32, #tpu.memory_space<vmem>>, %arg14: memref<40x128xi32, #tpu.memory_space<vmem>>, %arg15: memref<128xf32, #tpu.memory_space<vmem>>, %arg16: memref<655360xf32, #tpu.memory_space<vmem_shared>>, %arg17: memref<81920xf32, #tpu.memory_space<vmem_shared>>) attributes {dimension_semantics = [#tpu.dimension_semantics<core_parallel>, #tpu.dimension_semantics<subcore_parallel>], iteration_bounds = array<i64: 2, 16>, scalar_prefetch = 0 : i64, scratch_operands = 9 : i64, tpu.core_type = #tpu.core_type<sc_vector_subcore>, window_params = [{transform_indices = #map}, {transform_indices = #map}, {transform_indices = #map}, {transform_indices = #map1}, {transform_indices = #map1}, {transform_indices = #map1}, {transform_indices = #map1}]} {
    %mul3A = arith.constant 40960 : i32
    %mul3A_0 = arith.muli %arg1, %mul3A : i32
    %min3A = arith.constant 599040 : i32
    %min3A_1 = arith.minsi %mul3A_0, %min3A : i32
    %multiple_of3A = tpu.assume_multiple %min3A_1, 128 : i32
    %mul3A_2 = arith.constant 5120 : i32
    %mul3A_3 = arith.muli %arg1, %mul3A_2 : i32
    %min3A_4 = arith.constant 74880 : i32
    %min3A_5 = arith.minsi %mul3A_3, %min3A_4 : i32
    %multiple_of3A_6 = tpu.assume_multiple %min3A_5, 128 : i32
    "tpu.region"() ({
      %run_scoped3A = tpu.sem_alloc : memref<!tpu.dma_semaphore, #tpu.memory_space<semaphore_mem>>
      %dma_start3A = tpu.memref_slice %arg16[%multiple_of3A] : memref<655360xf32, #tpu.memory_space<vmem_shared>> -> memref<40960xf32, #tpu.memory_space<vmem_shared>>
      %dma_start3A_56 = tpu.memref_slice %arg6[%multiple_of3A] : memref<640000xf32, #tpu.memory_space<hbm>> -> memref<40960xf32, #tpu.memory_space<hbm>>
      tpu.enqueue_dma source(%dma_start3A_56 : memref<40960xf32, #tpu.memory_space<hbm>>) target(%dma_start3A : memref<40960xf32, #tpu.memory_space<vmem_shared>>) target_semaphore(%run_scoped3A : memref<!tpu.dma_semaphore, #tpu.memory_space<semaphore_mem>>)
      %dma_wait3A = tpu.memref_slice %arg16[%multiple_of3A] : memref<655360xf32, #tpu.memory_space<vmem_shared>> -> memref<40960xf32, #tpu.memory_space<vmem_shared>>
      %dma_wait3A_57 = tpu.memref_slice %arg6[%multiple_of3A] : memref<640000xf32, #tpu.memory_space<hbm>> -> memref<40960xf32, #tpu.memory_space<hbm>>
      tpu.wait_dma2 semaphore(%run_scoped3A : memref<!tpu.dma_semaphore, #tpu.memory_space<semaphore_mem>>) src(%dma_wait3A_57 : memref<40960xf32, #tpu.memory_space<hbm>>) dst(%dma_wait3A : memref<40960xf32, #tpu.memory_space<vmem_shared>>)
      tpu.yield
    }) : () -> ()
    "tpu.region"() ({
      %run_scoped3A = tpu.sem_alloc : memref<!tpu.dma_semaphore, #tpu.memory_space<semaphore_mem>>
      %dma_start3A = tpu.memref_slice %arg17[%multiple_of3A_6] : memref<81920xf32, #tpu.memory_space<vmem_shared>> -> memref<5120xf32, #tpu.memory_space<vmem_shared>>
      %dma_start3A_56 = tpu.memref_slice %arg6[%multiple_of3A_6] : memref<640000xf32, #tpu.memory_space<hbm>> -> memref<5120xf32, #tpu.memory_space<hbm>>
      tpu.enqueue_dma source(%dma_start3A_56 : memref<5120xf32, #tpu.memory_space<hbm>>) target(%dma_start3A : memref<5120xf32, #tpu.memory_space<vmem_shared>>) target_semaphore(%run_scoped3A : memref<!tpu.dma_semaphore, #tpu.memory_space<semaphore_mem>>)
      %dma_wait3A = tpu.memref_slice %arg17[%multiple_of3A_6] : memref<81920xf32, #tpu.memory_space<vmem_shared>> -> memref<5120xf32, #tpu.memory_space<vmem_shared>>
      %dma_wait3A_57 = tpu.memref_slice %arg6[%multiple_of3A_6] : memref<640000xf32, #tpu.memory_space<hbm>> -> memref<5120xf32, #tpu.memory_space<hbm>>
      tpu.wait_dma2 semaphore(%run_scoped3A : memref<!tpu.dma_semaphore, #tpu.memory_space<semaphore_mem>>) src(%dma_wait3A_57 : memref<5120xf32, #tpu.memory_space<hbm>>) dst(%dma_wait3A : memref<5120xf32, #tpu.memory_space<vmem_shared>>)
      tpu.yield
    }) : () -> ()
    "tpu.region"() ({
      %run_scoped3A = tpu.sem_alloc : memref<!tpu.dma_semaphore, #tpu.memory_space<semaphore_mem>>
      tpu.enqueue_dma source(%arg5 : memref<10000xi32, #tpu.memory_space<hbm>>) target(%arg9 : memref<10000xi32, #tpu.memory_space<vmem>>) target_semaphore(%run_scoped3A : memref<!tpu.dma_semaphore, #tpu.memory_space<semaphore_mem>>)
      tpu.wait_dma2 semaphore(%run_scoped3A : memref<!tpu.dma_semaphore, #tpu.memory_space<semaphore_mem>>) src(%arg5 : memref<10000xi32, #tpu.memory_space<hbm>>) dst(%arg9 : memref<10000xi32, #tpu.memory_space<vmem>>)
      tpu.yield
    }) : () -> ()
    "tpu.region"() ({
      %run_scoped3A = tpu.sem_alloc : memref<!tpu.dma_semaphore, #tpu.memory_space<semaphore_mem>>
      %dma_start3A = arith.constant 0 : i32
      %dma_start3A_56 = arith.constant 0 : i32
      %dma_start3A_57 = tpu.memref_slice %arg2[%arg0, %arg1, %dma_start3A, %dma_start3A_56] : memref<2x16x40x128xi32, #tpu.memory_space<hbm>> -> memref<1x1x40x128xi32, #tpu.memory_space<hbm>>
      %dma_start3A_58 = tpu.memref_squeeze %dma_start3A_57 : memref<1x1x40x128xi32, #tpu.memory_space<hbm>> -> memref<40x128xi32, #tpu.memory_space<hbm>>
      %dma_start3A_59 = arith.constant 0 : i32
      %dma_start3A_60 = arith.constant 0 : i32
      %dma_start3A_61 = tpu.memref_slice %arg2[%arg0, %arg1, %dma_start3A_59, %dma_start3A_60] : memref<2x16x40x128xi32, #tpu.memory_space<hbm>> -> memref<1x1x40x128xi32, #tpu.memory_space<hbm>>
      %dma_start3A_62 = tpu.memref_squeeze %dma_start3A_61 : memref<1x1x40x128xi32, #tpu.memory_space<hbm>> -> memref<40x128xi32, #tpu.memory_space<hbm>>
      tpu.enqueue_dma source(%dma_start3A_62 : memref<40x128xi32, #tpu.memory_space<hbm>>) target(%arg10 : memref<40x128xi32, #tpu.memory_space<vmem>>) target_semaphore(%run_scoped3A : memref<!tpu.dma_semaphore, #tpu.memory_space<semaphore_mem>>)
      %dma_wait3A = arith.constant 0 : i32
      %dma_wait3A_63 = arith.constant 0 : i32
      %dma_wait3A_64 = tpu.memref_slice %arg2[%arg0, %arg1, %dma_wait3A, %dma_wait3A_63] : memref<2x16x40x128xi32, #tpu.memory_space<hbm>> -> memref<1x1x40x128xi32, #tpu.memory_space<hbm>>
      %dma_wait3A_65 = tpu.memref_squeeze %dma_wait3A_64 : memref<1x1x40x128xi32, #tpu.memory_space<hbm>> -> memref<40x128xi32, #tpu.memory_space<hbm>>
      %dma_wait3A_66 = arith.constant 0 : i32
      %dma_wait3A_67 = arith.constant 0 : i32
      %dma_wait3A_68 = tpu.memref_slice %arg2[%arg0, %arg1, %dma_wait3A_66, %dma_wait3A_67] : memref<2x16x40x128xi32, #tpu.memory_space<hbm>> -> memref<1x1x40x128xi32, #tpu.memory_space<hbm>>
      %dma_wait3A_69 = tpu.memref_squeeze %dma_wait3A_68 : memref<1x1x40x128xi32, #tpu.memory_space<hbm>> -> memref<40x128xi32, #tpu.memory_space<hbm>>
      tpu.wait_dma2 semaphore(%run_scoped3A : memref<!tpu.dma_semaphore, #tpu.memory_space<semaphore_mem>>) src(%dma_wait3A_69 : memref<40x128xi32, #tpu.memory_space<hbm>>) dst(%arg10 : memref<40x128xi32, #tpu.memory_space<vmem>>)
      tpu.yield
    }) : () -> ()
    "tpu.region"() ({
      %run_scoped3A = tpu.sem_alloc : memref<!tpu.dma_semaphore, #tpu.memory_space<semaphore_mem>>
      %dma_start3A = arith.constant 0 : i32
      %dma_start3A_56 = arith.constant 0 : i32
      %dma_start3A_57 = tpu.memref_slice %arg3[%arg0, %arg1, %dma_start3A, %dma_start3A_56] : memref<2x16x40x128xi32, #tpu.memory_space<hbm>> -> memref<1x1x40x128xi32, #tpu.memory_space<hbm>>
      %dma_start3A_58 = tpu.memref_squeeze %dma_start3A_57 : memref<1x1x40x128xi32, #tpu.memory_space<hbm>> -> memref<40x128xi32, #tpu.memory_space<hbm>>
      %dma_start3A_59 = arith.constant 0 : i32
      %dma_start3A_60 = arith.constant 0 : i32
      %dma_start3A_61 = tpu.memref_slice %arg3[%arg0, %arg1, %dma_start3A_59, %dma_start3A_60] : memref<2x16x40x128xi32, #tpu.memory_space<hbm>> -> memref<1x1x40x128xi32, #tpu.memory_space<hbm>>
      %dma_start3A_62 = tpu.memref_squeeze %dma_start3A_61 : memref<1x1x40x128xi32, #tpu.memory_space<hbm>> -> memref<40x128xi32, #tpu.memory_space<hbm>>
      tpu.enqueue_dma source(%dma_start3A_62 : memref<40x128xi32, #tpu.memory_space<hbm>>) target(%arg11 : memref<40x128xi32, #tpu.memory_space<vmem>>) target_semaphore(%run_scoped3A : memref<!tpu.dma_semaphore, #tpu.memory_space<semaphore_mem>>)
      %dma_wait3A = arith.constant 0 : i32
      %dma_wait3A_63 = arith.constant 0 : i32
      %dma_wait3A_64 = tpu.memref_slice %arg3[%arg0, %arg1, %dma_wait3A, %dma_wait3A_63] : memref<2x16x40x128xi32, #tpu.memory_space<hbm>> -> memref<1x1x40x128xi32, #tpu.memory_space<hbm>>
      %dma_wait3A_65 = tpu.memref_squeeze %dma_wait3A_64 : memref<1x1x40x128xi32, #tpu.memory_space<hbm>> -> memref<40x128xi32, #tpu.memory_space<hbm>>
      %dma_wait3A_66 = arith.constant 0 : i32
      %dma_wait3A_67 = arith.constant 0 : i32
      %dma_wait3A_68 = tpu.memref_slice %arg3[%arg0, %arg1, %dma_wait3A_66, %dma_wait3A_67] : memref<2x16x40x128xi32, #tpu.memory_space<hbm>> -> memref<1x1x40x128xi32, #tpu.memory_space<hbm>>
      %dma_wait3A_69 = tpu.memref_squeeze %dma_wait3A_68 : memref<1x1x40x128xi32, #tpu.memory_space<hbm>> -> memref<40x128xi32, #tpu.memory_space<hbm>>
      tpu.wait_dma2 semaphore(%run_scoped3A : memref<!tpu.dma_semaphore, #tpu.memory_space<semaphore_mem>>) src(%dma_wait3A_69 : memref<40x128xi32, #tpu.memory_space<hbm>>) dst(%arg11 : memref<40x128xi32, #tpu.memory_space<vmem>>)
      tpu.yield
    }) : () -> ()
    "tpu.region"() ({
      %run_scoped3A = tpu.sem_alloc : memref<!tpu.dma_semaphore, #tpu.memory_space<semaphore_mem>>
      %dma_start3A = arith.constant 0 : i32
      %dma_start3A_56 = arith.constant 0 : i32
      %dma_start3A_57 = tpu.memref_slice %arg4[%arg0, %arg1, %dma_start3A, %dma_start3A_56] : memref<2x16x40x128xi32, #tpu.memory_space<hbm>> -> memref<1x1x40x128xi32, #tpu.memory_space<hbm>>
      %dma_start3A_58 = tpu.memref_squeeze %dma_start3A_57 : memref<1x1x40x128xi32, #tpu.memory_space<hbm>> -> memref<40x128xi32, #tpu.memory_space<hbm>>
      %dma_start3A_59 = arith.constant 0 : i32
      %dma_start3A_60 = arith.constant 0 : i32
      %dma_start3A_61 = tpu.memref_slice %arg4[%arg0, %arg1, %dma_start3A_59, %dma_start3A_60] : memref<2x16x40x128xi32, #tpu.memory_space<hbm>> -> memref<1x1x40x128xi32, #tpu.memory_space<hbm>>
      %dma_start3A_62 = tpu.memref_squeeze %dma_start3A_61 : memref<1x1x40x128xi32, #tpu.memory_space<hbm>> -> memref<40x128xi32, #tpu.memory_space<hbm>>
      tpu.enqueue_dma source(%dma_start3A_62 : memref<40x128xi32, #tpu.memory_space<hbm>>) target(%arg12 : memref<40x128xi32, #tpu.memory_space<vmem>>) target_semaphore(%run_scoped3A : memref<!tpu.dma_semaphore, #tpu.memory_space<semaphore_mem>>)
      %dma_wait3A = arith.constant 0 : i32
      %dma_wait3A_63 = arith.constant 0 : i32
      %dma_wait3A_64 = tpu.memref_slice %arg4[%arg0, %arg1, %dma_wait3A, %dma_wait3A_63] : memref<2x16x40x128xi32, #tpu.memory_space<hbm>> -> memref<1x1x40x128xi32, #tpu.memory_space<hbm>>
      %dma_wait3A_65 = tpu.memref_squeeze %dma_wait3A_64 : memref<1x1x40x128xi32, #tpu.memory_space<hbm>> -> memref<40x128xi32, #tpu.memory_space<hbm>>
      %dma_wait3A_66 = arith.constant 0 : i32
      %dma_wait3A_67 = arith.constant 0 : i32
      %dma_wait3A_68 = tpu.memref_slice %arg4[%arg0, %arg1, %dma_wait3A_66, %dma_wait3A_67] : memref<2x16x40x128xi32, #tpu.memory_space<hbm>> -> memref<1x1x40x128xi32, #tpu.memory_space<hbm>>
      %dma_wait3A_69 = tpu.memref_squeeze %dma_wait3A_68 : memref<1x1x40x128xi32, #tpu.memory_space<hbm>> -> memref<40x128xi32, #tpu.memory_space<hbm>>
      tpu.wait_dma2 semaphore(%run_scoped3A : memref<!tpu.dma_semaphore, #tpu.memory_space<semaphore_mem>>) src(%dma_wait3A_69 : memref<40x128xi32, #tpu.memory_space<hbm>>) dst(%arg12 : memref<40x128xi32, #tpu.memory_space<vmem>>)
      tpu.yield
    }) : () -> ()
    %broadcast_in_dim3A = arith.constant 1.000000e+00 : f32
    %broadcast_in_dim3A_7 = vector.broadcast %broadcast_in_dim3A : f32 to vector<16xf32>
    %swap3A = arith.constant 0 : index
    %swap3A_8 = tpu.vector_load %arg15[%swap3A] {strides = array<i32>} : memref<128xf32, #tpu.memory_space<vmem>>, vector<16xf32>,
    tpu.vector_store %arg15[%swap3A], %broadcast_in_dim3A_7 {strides = array<i32>} : memref<128xf32, #tpu.memory_space<vmem>>, vector<16xf32>,
    %broadcast_in_dim3A_9 = arith.constant 1.000000e+00 : f32
    %broadcast_in_dim3A_10 = vector.broadcast %broadcast_in_dim3A_9 : f32 to vector<16xf32>
    %swap3A_11 = arith.constant 16 : index
    %swap3A_12 = tpu.vector_load %arg15[%swap3A_11] {strides = array<i32>} : memref<128xf32, #tpu.memory_space<vmem>>, vector<16xf32>,
    tpu.vector_store %arg15[%swap3A_11], %broadcast_in_dim3A_10 {strides = array<i32>} : memref<128xf32, #tpu.memory_space<vmem>>, vector<16xf32>,
    %broadcast_in_dim3A_13 = arith.constant 1.000000e+00 : f32
    %broadcast_in_dim3A_14 = vector.broadcast %broadcast_in_dim3A_13 : f32 to vector<16xf32>
    %swap3A_15 = arith.constant 32 : index
    %swap3A_16 = tpu.vector_load %arg15[%swap3A_15] {strides = array<i32>} : memref<128xf32, #tpu.memory_space<vmem>>, vector<16xf32>,
    tpu.vector_store %arg15[%swap3A_15], %broadcast_in_dim3A_14 {strides = array<i32>} : memref<128xf32, #tpu.memory_space<vmem>>, vector<16xf32>,
    %broadcast_in_dim3A_17 = arith.constant 1.000000e+00 : f32
    %broadcast_in_dim3A_18 = vector.broadcast %broadcast_in_dim3A_17 : f32 to vector<16xf32>
    %swap3A_19 = arith.constant 48 : index
    %swap3A_20 = tpu.vector_load %arg15[%swap3A_19] {strides = array<i32>} : memref<128xf32, #tpu.memory_space<vmem>>, vector<16xf32>,
    tpu.vector_store %arg15[%swap3A_19], %broadcast_in_dim3A_18 {strides = array<i32>} : memref<128xf32, #tpu.memory_space<vmem>>, vector<16xf32>,
    %broadcast_in_dim3A_21 = arith.constant 1.000000e+00 : f32
    %broadcast_in_dim3A_22 = vector.broadcast %broadcast_in_dim3A_21 : f32 to vector<16xf32>
    %swap3A_23 = arith.constant 64 : index
    %swap3A_24 = tpu.vector_load %arg15[%swap3A_23] {strides = array<i32>} : memref<128xf32, #tpu.memory_space<vmem>>, vector<16xf32>,
    tpu.vector_store %arg15[%swap3A_23], %broadcast_in_dim3A_22 {strides = array<i32>} : memref<128xf32, #tpu.memory_space<vmem>>, vector<16xf32>,
    %broadcast_in_dim3A_25 = arith.constant 1.000000e+00 : f32
    %broadcast_in_dim3A_26 = vector.broadcast %broadcast_in_dim3A_25 : f32 to vector<16xf32>
    %swap3A_27 = arith.constant 80 : index
    %swap3A_28 = tpu.vector_load %arg15[%swap3A_27] {strides = array<i32>} : memref<128xf32, #tpu.memory_space<vmem>>, vector<16xf32>,
    tpu.vector_store %arg15[%swap3A_27], %broadcast_in_dim3A_26 {strides = array<i32>} : memref<128xf32, #tpu.memory_space<vmem>>, vector<16xf32>,
    %broadcast_in_dim3A_29 = arith.constant 1.000000e+00 : f32
    %broadcast_in_dim3A_30 = vector.broadcast %broadcast_in_dim3A_29 : f32 to vector<16xf32>
    %swap3A_31 = arith.constant 96 : index
    %swap3A_32 = tpu.vector_load %arg15[%swap3A_31] {strides = array<i32>} : memref<128xf32, #tpu.memory_space<vmem>>, vector<16xf32>,
    tpu.vector_store %arg15[%swap3A_31], %broadcast_in_dim3A_30 {strides = array<i32>} : memref<128xf32, #tpu.memory_space<vmem>>, vector<16xf32>,
    %broadcast_in_dim3A_33 = arith.constant 1.000000e+00 : f32
    %broadcast_in_dim3A_34 = vector.broadcast %broadcast_in_dim3A_33 : f32 to vector<16xf32>
    %swap3A_35 = arith.constant 112 : index
    %swap3A_36 = tpu.vector_load %arg15[%swap3A_35] {strides = array<i32>} : memref<128xf32, #tpu.memory_space<vmem>>, vector<16xf32>,
    tpu.vector_store %arg15[%swap3A_35], %broadcast_in_dim3A_34 {strides = array<i32>} : memref<128xf32, #tpu.memory_space<vmem>>, vector<16xf32>,
    %scan3A = arith.constant 0 : i32
    %scan3A_37 = arith.constant 0 : i32
    %scan3A_38 = arith.constant 40 : i32
    %scan3A_39 = arith.addi %scan3A_37, %scan3A_38 : i32
    %scan3A_40 = arith.constant 1 : i32
    scf.for %scan3A_56 = %scan3A_37 to %scan3A_39 step %scan3A_40  : i32 {
      %get3A = arith.index_cast %scan3A_56 : i32 to index
      %get3A_57 = arith.constant 0 : index
      %get3A_58 = tpu.vector_load %arg10[%get3A, %get3A_57] {strides = array<i32>} : memref<40x128xi32, #tpu.memory_space<vmem>>, vector<16xi32>,
      %gather3A = tpu.vector_load_idx %arg9[%get3A_58] : memref<10000xi32, #tpu.memory_space<vmem>>[vector<16xi32>], vector<16xi32>,
      %get3A_59 = arith.index_cast %scan3A_56 : i32 to index
      %get3A_60 = arith.constant 0 : index
      %get3A_61 = tpu.vector_load %arg11[%get3A_59, %get3A_60] {strides = array<i32>} : memref<40x128xi32, #tpu.memory_space<vmem>>, vector<16xi32>,
      %get3A_62 = arith.index_cast %scan3A_56 : i32 to index
      %get3A_63 = arith.constant 0 : index
      %get3A_64 = tpu.vector_load %arg12[%get3A_62, %get3A_63] {strides = array<i32>} : memref<40x128xi32, #tpu.memory_space<vmem>>, vector<16xi32>,
      %mul3A_65 = arith.constant 64 : i32
      %mul3A_66 = vector.broadcast %mul3A_65 : i32 to vector<16xi32>
      %mul3A_67 = arith.muli %get3A_61, %mul3A_66 : vector<16xi32>
      %add3A_68 = arith.addi %mul3A_67, %gather3A : vector<16xi32>
      %swap3A_69 = arith.index_cast %scan3A_56 : i32 to index
      %swap3A_70 = arith.constant 0 : index
      %swap3A_71 = tpu.vector_load %arg13[%swap3A_69, %swap3A_70] {strides = array<i32>} : memref<40x128xi32, #tpu.memory_space<vmem>>, vector<16xi32>,
      tpu.vector_store %arg13[%swap3A_69, %swap3A_70], %add3A_68 {strides = array<i32>} : memref<40x128xi32, #tpu.memory_space<vmem>>, vector<16xi32>,
      %mul3A_72 = arith.constant 8 : i32
      %mul3A_73 = vector.broadcast %mul3A_72 : i32 to vector<16xi32>
      %mul3A_74 = arith.muli %get3A_61, %mul3A_73 : vector<16xi32>
      %add3A_75 = arith.addi %mul3A_74, %get3A_64 : vector<16xi32>
      %swap3A_76 = arith.index_cast %scan3A_56 : i32 to index
      %swap3A_77 = arith.constant 0 : index
      %swap3A_78 = tpu.vector_load %arg14[%swap3A_76, %swap3A_77] {strides = array<i32>} : memref<40x128xi32, #tpu.memory_space<vmem>>, vector<16xi32>,
      tpu.vector_store %arg14[%swap3A_76, %swap3A_77], %add3A_75 {strides = array<i32>} : memref<40x128xi32, #tpu.memory_space<vmem>>, vector<16xi32>,
      %get3A_79 = arith.index_cast %scan3A_56 : i32 to index
      %get3A_80 = arith.constant 16 : index
      %get3A_81 = tpu.vector_load %arg10[%get3A_79, %get3A_80] {strides = array<i32>} : memref<40x128xi32, #tpu.memory_space<vmem>>, vector<16xi32>,
      %gather3A_82 = tpu.vector_load_idx %arg9[%get3A_81] : memref<10000xi32, #tpu.memory_space<vmem>>[vector<16xi32>], vector<16xi32>,
      %get3A_83 = arith.index_cast %scan3A_56 : i32 to index
      %get3A_84 = arith.constant 16 : index
      %get3A_85 = tpu.vector_load %arg11[%get3A_83, %get3A_84] {strides = array<i32>} : memref<40x128xi32, #tpu.memory_space<vmem>>, vector<16xi32>,
      %get3A_86 = arith.index_cast %scan3A_56 : i32 to index
      %get3A_87 = arith.constant 16 : index
      %get3A_88 = tpu.vector_load %arg12[%get3A_86, %get3A_87] {strides = array<i32>} : memref<40x128xi32, #tpu.memory_space<vmem>>, vector<16xi32>,
      %mul3A_89 = arith.constant 64 : i32
      %mul3A_90 = vector.broadcast %mul3A_89 : i32 to vector<16xi32>
      %mul3A_91 = arith.muli %get3A_85, %mul3A_90 : vector<16xi32>
      %add3A_92 = arith.addi %mul3A_91, %gather3A_82 : vector<16xi32>
      %swap3A_93 = arith.index_cast %scan3A_56 : i32 to index
      %swap3A_94 = arith.constant 16 : index
      %swap3A_95 = tpu.vector_load %arg13[%swap3A_93, %swap3A_94] {strides = array<i32>} : memref<40x128xi32, #tpu.memory_space<vmem>>, vector<16xi32>,
      tpu.vector_store %arg13[%swap3A_93, %swap3A_94], %add3A_92 {strides = array<i32>} : memref<40x128xi32, #tpu.memory_space<vmem>>, vector<16xi32>,
      %mul3A_96 = arith.constant 8 : i32
      %mul3A_97 = vector.broadcast %mul3A_96 : i32 to vector<16xi32>
      %mul3A_98 = arith.muli %get3A_85, %mul3A_97 : vector<16xi32>
      %add3A_99 = arith.addi %mul3A_98, %get3A_88 : vector<16xi32>
      %swap3A_100 = arith.index_cast %scan3A_56 : i32 to index
      %swap3A_101 = arith.constant 16 : index
      %swap3A_102 = tpu.vector_load %arg14[%swap3A_100, %swap3A_101] {strides = array<i32>} : memref<40x128xi32, #tpu.memory_space<vmem>>, vector<16xi32>,
      tpu.vector_store %arg14[%swap3A_100, %swap3A_101], %add3A_99 {strides = array<i32>} : memref<40x128xi32, #tpu.memory_space<vmem>>, vector<16xi32>,
      %get3A_103 = arith.index_cast %scan3A_56 : i32 to index
      %get3A_104 = arith.constant 32 : index
      %get3A_105 = tpu.vector_load %arg10[%get3A_103, %get3A_104] {strides = array<i32>} : memref<40x128xi32, #tpu.memory_space<vmem>>, vector<16xi32>,
      %gather3A_106 = tpu.vector_load_idx %arg9[%get3A_105] : memref<10000xi32, #tpu.memory_space<vmem>>[vector<16xi32>], vector<16xi32>,
      %get3A_107 = arith.index_cast %scan3A_56 : i32 to index
      %get3A_108 = arith.constant 32 : index
      %get3A_109 = tpu.vector_load %arg11[%get3A_107, %get3A_108] {strides = array<i32>} : memref<40x128xi32, #tpu.memory_space<vmem>>, vector<16xi32>,
      %get3A_110 = arith.index_cast %scan3A_56 : i32 to index
      %get3A_111 = arith.constant 32 : index
      %get3A_112 = tpu.vector_load %arg12[%get3A_110, %get3A_111] {strides = array<i32>} : memref<40x128xi32, #tpu.memory_space<vmem>>, vector<16xi32>,
      %mul3A_113 = arith.constant 64 : i32
      %mul3A_114 = vector.broadcast %mul3A_113 : i32 to vector<16xi32>
      %mul3A_115 = arith.muli %get3A_109, %mul3A_114 : vector<16xi32>
      %add3A_116 = arith.addi %mul3A_115, %gather3A_106 : vector<16xi32>
      %swap3A_117 = arith.index_cast %scan3A_56 : i32 to index
      %swap3A_118 = arith.constant 32 : index
      %swap3A_119 = tpu.vector_load %arg13[%swap3A_117, %swap3A_118] {strides = array<i32>} : memref<40x128xi32, #tpu.memory_space<vmem>>, vector<16xi32>,
      tpu.vector_store %arg13[%swap3A_117, %swap3A_118], %add3A_116 {strides = array<i32>} : memref<40x128xi32, #tpu.memory_space<vmem>>, vector<16xi32>,
      %mul3A_120 = arith.constant 8 : i32
      %mul3A_121 = vector.broadcast %mul3A_120 : i32 to vector<16xi32>
      %mul3A_122 = arith.muli %get3A_109, %mul3A_121 : vector<16xi32>
      %add3A_123 = arith.addi %mul3A_122, %get3A_112 : vector<16xi32>
      %swap3A_124 = arith.index_cast %scan3A_56 : i32 to index
      %swap3A_125 = arith.constant 32 : index
      %swap3A_126 = tpu.vector_load %arg14[%swap3A_124, %swap3A_125] {strides = array<i32>} : memref<40x128xi32, #tpu.memory_space<vmem>>, vector<16xi32>,
      tpu.vector_store %arg14[%swap3A_124, %swap3A_125], %add3A_123 {strides = array<i32>} : memref<40x128xi32, #tpu.memory_space<vmem>>, vector<16xi32>,
      %get3A_127 = arith.index_cast %scan3A_56 : i32 to index
      %get3A_128 = arith.constant 48 : index
      %get3A_129 = tpu.vector_load %arg10[%get3A_127, %get3A_128] {strides = array<i32>} : memref<40x128xi32, #tpu.memory_space<vmem>>, vector<16xi32>,
      %gather3A_130 = tpu.vector_load_idx %arg9[%get3A_129] : memref<10000xi32, #tpu.memory_space<vmem>>[vector<16xi32>], vector<16xi32>,
      %get3A_131 = arith.index_cast %scan3A_56 : i32 to index
      %get3A_132 = arith.constant 48 : index
      %get3A_133 = tpu.vector_load %arg11[%get3A_131, %get3A_132] {strides = array<i32>} : memref<40x128xi32, #tpu.memory_space<vmem>>, vector<16xi32>,
      %get3A_134 = arith.index_cast %scan3A_56 : i32 to index
      %get3A_135 = arith.constant 48 : index
      %get3A_136 = tpu.vector_load %arg12[%get3A_134, %get3A_135] {strides = array<i32>} : memref<40x128xi32, #tpu.memory_space<vmem>>, vector<16xi32>,
      %mul3A_137 = arith.constant 64 : i32
      %mul3A_138 = vector.broadcast %mul3A_137 : i32 to vector<16xi32>
      %mul3A_139 = arith.muli %get3A_133, %mul3A_138 : vector<16xi32>
      %add3A_140 = arith.addi %mul3A_139, %gather3A_130 : vector<16xi32>
      %swap3A_141 = arith.index_cast %scan3A_56 : i32 to index
      %swap3A_142 = arith.constant 48 : index
      %swap3A_143 = tpu.vector_load %arg13[%swap3A_141, %swap3A_142] {strides = array<i32>} : memref<40x128xi32, #tpu.memory_space<vmem>>, vector<16xi32>,
      tpu.vector_store %arg13[%swap3A_141, %swap3A_142], %add3A_140 {strides = array<i32>} : memref<40x128xi32, #tpu.memory_space<vmem>>, vector<16xi32>,
      %mul3A_144 = arith.constant 8 : i32
      %mul3A_145 = vector.broadcast %mul3A_144 : i32 to vector<16xi32>
      %mul3A_146 = arith.muli %get3A_133, %mul3A_145 : vector<16xi32>
      %add3A_147 = arith.addi %mul3A_146, %get3A_136 : vector<16xi32>
      %swap3A_148 = arith.index_cast %scan3A_56 : i32 to index
      %swap3A_149 = arith.constant 48 : index
      %swap3A_150 = tpu.vector_load %arg14[%swap3A_148, %swap3A_149] {strides = array<i32>} : memref<40x128xi32, #tpu.memory_space<vmem>>, vector<16xi32>,
      tpu.vector_store %arg14[%swap3A_148, %swap3A_149], %add3A_147 {strides = array<i32>} : memref<40x128xi32, #tpu.memory_space<vmem>>, vector<16xi32>,
      %get3A_151 = arith.index_cast %scan3A_56 : i32 to index
      %get3A_152 = arith.constant 64 : index
      %get3A_153 = tpu.vector_load %arg10[%get3A_151, %get3A_152] {strides = array<i32>} : memref<40x128xi32, #tpu.memory_space<vmem>>, vector<16xi32>,
      %gather3A_154 = tpu.vector_load_idx %arg9[%get3A_153] : memref<10000xi32, #tpu.memory_space<vmem>>[vector<16xi32>], vector<16xi32>,
      %get3A_155 = arith.index_cast %scan3A_56 : i32 to index
      %get3A_156 = arith.constant 64 : index
      %get3A_157 = tpu.vector_load %arg11[%get3A_155, %get3A_156] {strides = array<i32>} : memref<40x128xi32, #tpu.memory_space<vmem>>, vector<16xi32>,
      %get3A_158 = arith.index_cast %scan3A_56 : i32 to index
      %get3A_159 = arith.constant 64 : index
      %get3A_160 = tpu.vector_load %arg12[%get3A_158, %get3A_159] {strides = array<i32>} : memref<40x128xi32, #tpu.memory_space<vmem>>, vector<16xi32>,
      %mul3A_161 = arith.constant 64 : i32
      %mul3A_162 = vector.broadcast %mul3A_161 : i32 to vector<16xi32>
      %mul3A_163 = arith.muli %get3A_157, %mul3A_162 : vector<16xi32>
      %add3A_164 = arith.addi %mul3A_163, %gather3A_154 : vector<16xi32>
      %swap3A_165 = arith.index_cast %scan3A_56 : i32 to index
      %swap3A_166 = arith.constant 64 : index
      %swap3A_167 = tpu.vector_load %arg13[%swap3A_165, %swap3A_166] {strides = array<i32>} : memref<40x128xi32, #tpu.memory_space<vmem>>, vector<16xi32>,
      tpu.vector_store %arg13[%swap3A_165, %swap3A_166], %add3A_164 {strides = array<i32>} : memref<40x128xi32, #tpu.memory_space<vmem>>, vector<16xi32>,
      %mul3A_168 = arith.constant 8 : i32
      %mul3A_169 = vector.broadcast %mul3A_168 : i32 to vector<16xi32>
      %mul3A_170 = arith.muli %get3A_157, %mul3A_169 : vector<16xi32>
      %add3A_171 = arith.addi %mul3A_170, %get3A_160 : vector<16xi32>
      %swap3A_172 = arith.index_cast %scan3A_56 : i32 to index
      %swap3A_173 = arith.constant 64 : index
      %swap3A_174 = tpu.vector_load %arg14[%swap3A_172, %swap3A_173] {strides = array<i32>} : memref<40x128xi32, #tpu.memory_space<vmem>>, vector<16xi32>,
      tpu.vector_store %arg14[%swap3A_172, %swap3A_173], %add3A_171 {strides = array<i32>} : memref<40x128xi32, #tpu.memory_space<vmem>>, vector<16xi32>,
      %get3A_175 = arith.index_cast %scan3A_56 : i32 to index
      %get3A_176 = arith.constant 80 : index
      %get3A_177 = tpu.vector_load %arg10[%get3A_175, %get3A_176] {strides = array<i32>} : memref<40x128xi32, #tpu.memory_space<vmem>>, vector<16xi32>,
      %gather3A_178 = tpu.vector_load_idx %arg9[%get3A_177] : memref<10000xi32, #tpu.memory_space<vmem>>[vector<16xi32>], vector<16xi32>,
      %get3A_179 = arith.index_cast %scan3A_56 : i32 to index
      %get3A_180 = arith.constant 80 : index
      %get3A_181 = tpu.vector_load %arg11[%get3A_179, %get3A_180] {strides = array<i32>} : memref<40x128xi32, #tpu.memory_space<vmem>>, vector<16xi32>,
      %get3A_182 = arith.index_cast %scan3A_56 : i32 to index
      %get3A_183 = arith.constant 80 : index
      %get3A_184 = tpu.vector_load %arg12[%get3A_182, %get3A_183] {strides = array<i32>} : memref<40x128xi32, #tpu.memory_space<vmem>>, vector<16xi32>,
      %mul3A_185 = arith.constant 64 : i32
      %mul3A_186 = vector.broadcast %mul3A_185 : i32 to vector<16xi32>
      %mul3A_187 = arith.muli %get3A_181, %mul3A_186 : vector<16xi32>
      %add3A_188 = arith.addi %mul3A_187, %gather3A_178 : vector<16xi32>
      %swap3A_189 = arith.index_cast %scan3A_56 : i32 to index
      %swap3A_190 = arith.constant 80 : index
      %swap3A_191 = tpu.vector_load %arg13[%swap3A_189, %swap3A_190] {strides = array<i32>} : memref<40x128xi32, #tpu.memory_space<vmem>>, vector<16xi32>,
      tpu.vector_store %arg13[%swap3A_189, %swap3A_190], %add3A_188 {strides = array<i32>} : memref<40x128xi32, #tpu.memory_space<vmem>>, vector<16xi32>,
      %mul3A_192 = arith.constant 8 : i32
      %mul3A_193 = vector.broadcast %mul3A_192 : i32 to vector<16xi32>
      %mul3A_194 = arith.muli %get3A_181, %mul3A_193 : vector<16xi32>
      %add3A_195 = arith.addi %mul3A_194, %get3A_184 : vector<16xi32>
      %swap3A_196 = arith.index_cast %scan3A_56 : i32 to index
      %swap3A_197 = arith.constant 80 : index
      %swap3A_198 = tpu.vector_load %arg14[%swap3A_196, %swap3A_197] {strides = array<i32>} : memref<40x128xi32, #tpu.memory_space<vmem>>, vector<16xi32>,
      tpu.vector_store %arg14[%swap3A_196, %swap3A_197], %add3A_195 {strides = array<i32>} : memref<40x128xi32, #tpu.memory_space<vmem>>, vector<16xi32>,
      %get3A_199 = arith.index_cast %scan3A_56 : i32 to index
      %get3A_200 = arith.constant 96 : index
      %get3A_201 = tpu.vector_load %arg10[%get3A_199, %get3A_200] {strides = array<i32>} : memref<40x128xi32, #tpu.memory_space<vmem>>, vector<16xi32>,
      %gather3A_202 = tpu.vector_load_idx %arg9[%get3A_201] : memref<10000xi32, #tpu.memory_space<vmem>>[vector<16xi32>], vector<16xi32>,
      %get3A_203 = arith.index_cast %scan3A_56 : i32 to index
      %get3A_204 = arith.constant 96 : index
      %get3A_205 = tpu.vector_load %arg11[%get3A_203, %get3A_204] {strides = array<i32>} : memref<40x128xi32, #tpu.memory_space<vmem>>, vector<16xi32>,
      %get3A_206 = arith.index_cast %scan3A_56 : i32 to index
      %get3A_207 = arith.constant 96 : index
      %get3A_208 = tpu.vector_load %arg12[%get3A_206, %get3A_207] {strides = array<i32>} : memref<40x128xi32, #tpu.memory_space<vmem>>, vector<16xi32>,
      %mul3A_209 = arith.constant 64 : i32
      %mul3A_210 = vector.broadcast %mul3A_209 : i32 to vector<16xi32>
      %mul3A_211 = arith.muli %get3A_205, %mul3A_210 : vector<16xi32>
      %add3A_212 = arith.addi %mul3A_211, %gather3A_202 : vector<16xi32>
      %swap3A_213 = arith.index_cast %scan3A_56 : i32 to index
      %swap3A_214 = arith.constant 96 : index
      %swap3A_215 = tpu.vector_load %arg13[%swap3A_213, %swap3A_214] {strides = array<i32>} : memref<40x128xi32, #tpu.memory_space<vmem>>, vector<16xi32>,
      tpu.vector_store %arg13[%swap3A_213, %swap3A_214], %add3A_212 {strides = array<i32>} : memref<40x128xi32, #tpu.memory_space<vmem>>, vector<16xi32>,
      %mul3A_216 = arith.constant 8 : i32
      %mul3A_217 = vector.broadcast %mul3A_216 : i32 to vector<16xi32>
      %mul3A_218 = arith.muli %get3A_205, %mul3A_217 : vector<16xi32>
      %add3A_219 = arith.addi %mul3A_218, %get3A_208 : vector<16xi32>
      %swap3A_220 = arith.index_cast %scan3A_56 : i32 to index
      %swap3A_221 = arith.constant 96 : index
      %swap3A_222 = tpu.vector_load %arg14[%swap3A_220, %swap3A_221] {strides = array<i32>} : memref<40x128xi32, #tpu.memory_space<vmem>>, vector<16xi32>,
      tpu.vector_store %arg14[%swap3A_220, %swap3A_221], %add3A_219 {strides = array<i32>} : memref<40x128xi32, #tpu.memory_space<vmem>>, vector<16xi32>,
      %get3A_223 = arith.index_cast %scan3A_56 : i32 to index
      %get3A_224 = arith.constant 112 : index
      %get3A_225 = tpu.vector_load %arg10[%get3A_223, %get3A_224] {strides = array<i32>} : memref<40x128xi32, #tpu.memory_space<vmem>>, vector<16xi32>,
      %gather3A_226 = tpu.vector_load_idx %arg9[%get3A_225] : memref<10000xi32, #tpu.memory_space<vmem>>[vector<16xi32>], vector<16xi32>,
      %get3A_227 = arith.index_cast %scan3A_56 : i32 to index
      %get3A_228 = arith.constant 112 : index
      %get3A_229 = tpu.vector_load %arg11[%get3A_227, %get3A_228] {strides = array<i32>} : memref<40x128xi32, #tpu.memory_space<vmem>>, vector<16xi32>,
      %get3A_230 = arith.index_cast %scan3A_56 : i32 to index
      %get3A_231 = arith.constant 112 : index
      %get3A_232 = tpu.vector_load %arg12[%get3A_230, %get3A_231] {strides = array<i32>} : memref<40x128xi32, #tpu.memory_space<vmem>>, vector<16xi32>,
      %mul3A_233 = arith.constant 64 : i32
      %mul3A_234 = vector.broadcast %mul3A_233 : i32 to vector<16xi32>
      %mul3A_235 = arith.muli %get3A_229, %mul3A_234 : vector<16xi32>
      %add3A_236 = arith.addi %mul3A_235, %gather3A_226 : vector<16xi32>
      %swap3A_237 = arith.index_cast %scan3A_56 : i32 to index
      %swap3A_238 = arith.constant 112 : index
      %swap3A_239 = tpu.vector_load %arg13[%swap3A_237, %swap3A_238] {strides = array<i32>} : memref<40x128xi32, #tpu.memory_space<vmem>>, vector<16xi32>,
      tpu.vector_store %arg13[%swap3A_237, %swap3A_238], %add3A_236 {strides = array<i32>} : memref<40x128xi32, #tpu.memory_space<vmem>>, vector<16xi32>,
      %mul3A_240 = arith.constant 8 : i32
      %mul3A_241 = vector.broadcast %mul3A_240 : i32 to vector<16xi32>
      %mul3A_242 = arith.muli %get3A_229, %mul3A_241 : vector<16xi32>
      %add3A_243 = arith.addi %mul3A_242, %get3A_232 : vector<16xi32>
      %swap3A_244 = arith.index_cast %scan3A_56 : i32 to index
      %swap3A_245 = arith.constant 112 : index
      %swap3A_246 = tpu.vector_load %arg14[%swap3A_244, %swap3A_245] {strides = array<i32>} : memref<40x128xi32, #tpu.memory_space<vmem>>, vector<16xi32>,
      tpu.vector_store %arg14[%swap3A_244, %swap3A_245], %add3A_243 {strides = array<i32>} : memref<40x128xi32, #tpu.memory_space<vmem>>, vector<16xi32>,
    }
    %scan3A_41 = arith.constant 40 : i32
    %barrier3A = arith.constant 0 : index
    tpu.barrier barrier_id(%barrier3A)
    %scan3A_42 = arith.constant 0 : i32
    %scan3A_43 = arith.constant 0 : i32
    %scan3A_44 = arith.constant 40 : i32
    %scan3A_45 = arith.addi %scan3A_43, %scan3A_44 : i32
    %scan3A_46 = arith.constant 1 : i32
    scf.for %scan3A_56 = %scan3A_43 to %scan3A_45 step %scan3A_46  : i32 {
      "tpu.region"() ({
        %run_scoped3A = tpu.sem_alloc : memref<!tpu.dma_semaphore, #tpu.memory_space<semaphore_mem>>
        %dma_start3A = arith.constant 0 : i32
        %dma_start3A_57 = tpu.memref_slice %arg13[%scan3A_56, %dma_start3A] : memref<40x128xi32, #tpu.memory_space<vmem>> -> memref<1x128xi32, #tpu.memory_space<vmem>>
        %dma_start3A_58 = tpu.memref_squeeze %dma_start3A_57 : memref<1x128xi32, #tpu.memory_space<vmem>> -> memref<128xi32, #tpu.memory_space<vmem>>
        %dma_start3A_59 = arith.constant 0 : i32
        %dma_start3A_60 = tpu.memref_slice %arg16[%dma_start3A_59] : memref<655360xf32, #tpu.memory_space<vmem_shared>> -> memref<655360xf32, #tpu.memory_space<vmem_shared>>
        tpu.enqueue_indirect_dma source(%arg15 : memref<128xf32, #tpu.memory_space<vmem>>) target(%dma_start3A_60 : memref<655360xf32, #tpu.memory_space<vmem_shared>>) offsets(%dma_start3A_58 : memref<128xi32, #tpu.memory_space<vmem>>) semaphore(%run_scoped3A : memref<!tpu.dma_semaphore, #tpu.memory_space<semaphore_mem>>) {add = true}
        %dma_wait3A = arith.constant 0 : i32
        %dma_wait3A_61 = tpu.memref_slice %arg13[%scan3A_56, %dma_wait3A] : memref<40x128xi32, #tpu.memory_space<vmem>> -> memref<1x128xi32, #tpu.memory_space<vmem>>
        %dma_wait3A_62 = tpu.memref_squeeze %dma_wait3A_61 : memref<1x128xi32, #tpu.memory_space<vmem>> -> memref<128xi32, #tpu.memory_space<vmem>>
        %dma_wait3A_63 = arith.constant 0 : i32
        %dma_wait3A_64 = tpu.memref_slice %arg16[%dma_wait3A_63] : memref<655360xf32, #tpu.memory_space<vmem_shared>> -> memref<655360xf32, #tpu.memory_space<vmem_shared>>
        tpu.wait_indirect_dma semaphore(%run_scoped3A : memref<!tpu.dma_semaphore, #tpu.memory_space<semaphore_mem>>) src(%arg15 : memref<128xf32, #tpu.memory_space<vmem>>) dst(%dma_wait3A_64 : memref<655360xf32, #tpu.memory_space<vmem_shared>>)
        tpu.yield
      }) : () -> ()
      "tpu.region"() ({
        %run_scoped3A = tpu.sem_alloc : memref<!tpu.dma_semaphore, #tpu.memory_space<semaphore_mem>>
        %dma_start3A = arith.constant 0 : i32
        %dma_start3A_57 = tpu.memref_slice %arg14[%scan3A_56, %dma_start3A] : memref<40x128xi32, #tpu.memory_space<vmem>> -> memref<1x128xi32, #tpu.memory_space<vmem>>
        %dma_start3A_58 = tpu.memref_squeeze %dma_start3A_57 : memref<1x128xi32, #tpu.memory_space<vmem>> -> memref<128xi32, #tpu.memory_space<vmem>>
        %dma_start3A_59 = arith.constant 0 : i32
        %dma_start3A_60 = tpu.memref_slice %arg17[%dma_start3A_59] : memref<81920xf32, #tpu.memory_space<vmem_shared>> -> memref<81920xf32, #tpu.memory_space<vmem_shared>>
        tpu.enqueue_indirect_dma source(%arg15 : memref<128xf32, #tpu.memory_space<vmem>>) target(%dma_start3A_60 : memref<81920xf32, #tpu.memory_space<vmem_shared>>) offsets(%dma_start3A_58 : memref<128xi32, #tpu.memory_space<vmem>>) semaphore(%run_scoped3A : memref<!tpu.dma_semaphore, #tpu.memory_space<semaphore_mem>>) {add = true}
        %dma_wait3A = arith.constant 0 : i32
        %dma_wait3A_61 = tpu.memref_slice %arg14[%scan3A_56, %dma_wait3A] : memref<40x128xi32, #tpu.memory_space<vmem>> -> memref<1x128xi32, #tpu.memory_space<vmem>>
        %dma_wait3A_62 = tpu.memref_squeeze %dma_wait3A_61 : memref<1x128xi32, #tpu.memory_space<vmem>> -> memref<128xi32, #tpu.memory_space<vmem>>
        %dma_wait3A_63 = arith.constant 0 : i32
        %dma_wait3A_64 = tpu.memref_slice %arg17[%dma_wait3A_63] : memref<81920xf32, #tpu.memory_space<vmem_shared>> -> memref<81920xf32, #tpu.memory_space<vmem_shared>>
        tpu.wait_indirect_dma semaphore(%run_scoped3A : memref<!tpu.dma_semaphore, #tpu.memory_space<semaphore_mem>>) src(%arg15 : memref<128xf32, #tpu.memory_space<vmem>>) dst(%dma_wait3A_64 : memref<81920xf32, #tpu.memory_space<vmem_shared>>)
        tpu.yield
      }) : () -> ()
    }
    %scan3A_47 = arith.constant 40 : i32
    %barrier3A_48 = arith.constant 0 : index
    tpu.barrier barrier_id(%barrier3A_48)
    %mul3A_49 = arith.constant 640000 : i32
    %mul3A_50 = arith.muli %arg0, %mul3A_49 : i32
    %add3A = arith.addi %mul3A_50, %multiple_of3A : i32
    %multiple_of3A_51 = tpu.assume_multiple %add3A, 128 : i32
    "tpu.region"() ({
      %run_scoped3A = tpu.sem_alloc : memref<!tpu.dma_semaphore, #tpu.memory_space<semaphore_mem>>
      %dma_start3A = tpu.memref_slice %arg7[%multiple_of3A_51] : memref<1280000xf32, #tpu.memory_space<hbm>> -> memref<40960xf32, #tpu.memory_space<hbm>>
      %dma_start3A_56 = tpu.memref_slice %arg16[%multiple_of3A] : memref<655360xf32, #tpu.memory_space<vmem_shared>> -> memref<40960xf32, #tpu.memory_space<vmem_shared>>
      tpu.enqueue_dma source(%dma_start3A_56 : memref<40960xf32, #tpu.memory_space<vmem_shared>>) target(%dma_start3A : memref<40960xf32, #tpu.memory_space<hbm>>) target_semaphore(%run_scoped3A : memref<!tpu.dma_semaphore, #tpu.memory_space<semaphore_mem>>)
      %dma_wait3A = tpu.memref_slice %arg7[%multiple_of3A_51] : memref<1280000xf32, #tpu.memory_space<hbm>> -> memref<40960xf32, #tpu.memory_space<hbm>>
      %dma_wait3A_57 = tpu.memref_slice %arg16[%multiple_of3A] : memref<655360xf32, #tpu.memory_space<vmem_shared>> -> memref<40960xf32, #tpu.memory_space<vmem_shared>>
      tpu.wait_dma2 semaphore(%run_scoped3A : memref<!tpu.dma_semaphore, #tpu.memory_space<semaphore_mem>>) src(%dma_wait3A_57 : memref<40960xf32, #tpu.memory_space<vmem_shared>>) dst(%dma_wait3A : memref<40960xf32, #tpu.memory_space<hbm>>)
      tpu.yield
    }) : () -> ()
    %mul3A_52 = arith.constant 80000 : i32
    %mul3A_53 = arith.muli %arg0, %mul3A_52 : i32
    %add3A_54 = arith.addi %mul3A_53, %multiple_of3A_6 : i32
    %multiple_of3A_55 = tpu.assume_multiple %add3A_54, 128 : i32
    "tpu.region"() ({
      %run_scoped3A = tpu.sem_alloc : memref<!tpu.dma_semaphore, #tpu.memory_space<semaphore_mem>>
      %dma_start3A = tpu.memref_slice %arg8[%multiple_of3A_55] : memref<160000xf32, #tpu.memory_space<hbm>> -> memref<5120xf32, #tpu.memory_space<hbm>>
      %dma_start3A_56 = tpu.memref_slice %arg17[%multiple_of3A_6] : memref<81920xf32, #tpu.memory_space<vmem_shared>> -> memref<5120xf32, #tpu.memory_space<vmem_shared>>
      tpu.enqueue_dma source(%dma_start3A_56 : memref<5120xf32, #tpu.memory_space<vmem_shared>>) target(%dma_start3A : memref<5120xf32, #tpu.memory_space<hbm>>) target_semaphore(%run_scoped3A : memref<!tpu.dma_semaphore, #tpu.memory_space<semaphore_mem>>)
      %dma_wait3A = tpu.memref_slice %arg8[%multiple_of3A_55] : memref<160000xf32, #tpu.memory_space<hbm>> -> memref<5120xf32, #tpu.memory_space<hbm>>
      %dma_wait3A_57 = tpu.memref_slice %arg17[%multiple_of3A_6] : memref<81920xf32, #tpu.memory_space<vmem_shared>> -> memref<5120xf32, #tpu.memory_space<vmem_shared>>
      tpu.wait_dma2 semaphore(%run_scoped3A : memref<!tpu.dma_semaphore, #tpu.memory_space<semaphore_mem>>) src(%dma_wait3A_57 : memref<5120xf32, #tpu.memory_space<vmem_shared>>) dst(%dma_wait3A : memref<5120xf32, #tpu.memory_space<hbm>>)
      tpu.yield
    }) : () -> ()
    return
  }
}

#map = affine_map<(d0, d1) -> (0, 0)>
#map1 = affine_map<(d0, d1) -> (0, 0, 0, 0, 0)>
#map2 = affine_map<(d0, d1) -> (0, 0, 0)>
module attributes {stable_mosaic.version = 14 : i64} {
  func.func @_spmm_kernel(%arg0: i32, %arg1: i32, %arg2: memref<20000x128xf32, #tpu.memory_space<hbm>>, %arg3: memref<2x16x2x40x128xi32, #tpu.memory_space<hbm>>, %arg4: memref<16x80x128xi32, #tpu.memory_space<hbm>>, %arg5: memref<10000x128xf32, #tpu.memory_space<hbm>>, %arg6: memref<2x10000x128xf32, #tpu.memory_space<hbm>>, %arg7: memref<40x128xi32, #tpu.memory_space<vmem>>, %arg8: memref<80x128xi32, #tpu.memory_space<vmem>>, %arg9: memref<2x128x128xf32, #tpu.memory_space<vmem>>, %arg10: memref<10064x128xf32, #tpu.memory_space<vmem_shared>>, %arg11: memref<!tpu.dma_semaphore, #tpu.memory_space<semaphore_mem>>) attributes {dimension_semantics = [#tpu.dimension_semantics<core_parallel>, #tpu.dimension_semantics<subcore_parallel>], iteration_bounds = array<i64: 2, 16>, scalar_prefetch = 0 : i64, scratch_operands = 5 : i64, tpu.core_type = #tpu.core_type<sc_vector_subcore>, window_params = [{transform_indices = #map}, {transform_indices = #map1}, {transform_indices = #map2}, {transform_indices = #map}, {transform_indices = #map2}]} {
    %mul3A = arith.constant 640 : i32
    %mul3A_0 = arith.muli %arg1, %mul3A : i32
    %min3A = arith.constant 9360 : i32
    %min3A_1 = arith.minsi %mul3A_0, %min3A : i32
    %multiple_of3A = tpu.assume_multiple %min3A_1, 8 : i32
    "tpu.region"() ({
      %run_scoped3A_38 = tpu.sem_alloc : memref<!tpu.dma_semaphore, #tpu.memory_space<semaphore_mem>>
      %dma_start3A_39 = arith.constant 0 : i32
      %dma_start3A_40 = tpu.memref_slice %arg10[%multiple_of3A, %dma_start3A_39] : memref<10064x128xf32, #tpu.memory_space<vmem_shared>> -> memref<640x128xf32, #tpu.memory_space<vmem_shared>>
      %dma_start3A_41 = arith.constant 0 : i32
      %dma_start3A_42 = tpu.memref_slice %arg5[%multiple_of3A, %dma_start3A_41] : memref<10000x128xf32, #tpu.memory_space<hbm>> -> memref<640x128xf32, #tpu.memory_space<hbm>>
      tpu.enqueue_dma source(%dma_start3A_42 : memref<640x128xf32, #tpu.memory_space<hbm>>) target(%dma_start3A_40 : memref<640x128xf32, #tpu.memory_space<vmem_shared>>) target_semaphore(%run_scoped3A_38 : memref<!tpu.dma_semaphore, #tpu.memory_space<semaphore_mem>>)
      %dma_wait3A = arith.constant 0 : i32
      %dma_wait3A_43 = tpu.memref_slice %arg10[%multiple_of3A, %dma_wait3A] : memref<10064x128xf32, #tpu.memory_space<vmem_shared>> -> memref<640x128xf32, #tpu.memory_space<vmem_shared>>
      %dma_wait3A_44 = arith.constant 0 : i32
      %dma_wait3A_45 = tpu.memref_slice %arg5[%multiple_of3A, %dma_wait3A_44] : memref<10000x128xf32, #tpu.memory_space<hbm>> -> memref<640x128xf32, #tpu.memory_space<hbm>>
      tpu.wait_dma2 semaphore(%run_scoped3A_38 : memref<!tpu.dma_semaphore, #tpu.memory_space<semaphore_mem>>) src(%dma_wait3A_45 : memref<640x128xf32, #tpu.memory_space<hbm>>) dst(%dma_wait3A_43 : memref<640x128xf32, #tpu.memory_space<vmem_shared>>)
      tpu.yield
    }) : () -> ()
    "tpu.region"() ({
      %run_scoped3A_38 = tpu.sem_alloc : memref<!tpu.dma_semaphore, #tpu.memory_space<semaphore_mem>>
      %dma_start3A_39 = arith.constant 0 : i32
      %dma_start3A_40 = arith.constant 0 : i32
      %dma_start3A_41 = tpu.memref_slice %arg4[%arg1, %dma_start3A_39, %dma_start3A_40] : memref<16x80x128xi32, #tpu.memory_space<hbm>> -> memref<1x80x128xi32, #tpu.memory_space<hbm>>
      %dma_start3A_42 = tpu.memref_squeeze %dma_start3A_41 : memref<1x80x128xi32, #tpu.memory_space<hbm>> -> memref<80x128xi32, #tpu.memory_space<hbm>>
      %dma_start3A_43 = arith.constant 0 : i32
      %dma_start3A_44 = arith.constant 0 : i32
      %dma_start3A_45 = tpu.memref_slice %arg4[%arg1, %dma_start3A_43, %dma_start3A_44] : memref<16x80x128xi32, #tpu.memory_space<hbm>> -> memref<1x80x128xi32, #tpu.memory_space<hbm>>
      %dma_start3A_46 = tpu.memref_squeeze %dma_start3A_45 : memref<1x80x128xi32, #tpu.memory_space<hbm>> -> memref<80x128xi32, #tpu.memory_space<hbm>>
      tpu.enqueue_dma source(%dma_start3A_46 : memref<80x128xi32, #tpu.memory_space<hbm>>) target(%arg8 : memref<80x128xi32, #tpu.memory_space<vmem>>) target_semaphore(%run_scoped3A_38 : memref<!tpu.dma_semaphore, #tpu.memory_space<semaphore_mem>>)
      %dma_wait3A = arith.constant 0 : i32
      %dma_wait3A_47 = arith.constant 0 : i32
      %dma_wait3A_48 = tpu.memref_slice %arg4[%arg1, %dma_wait3A, %dma_wait3A_47] : memref<16x80x128xi32, #tpu.memory_space<hbm>> -> memref<1x80x128xi32, #tpu.memory_space<hbm>>
      %dma_wait3A_49 = tpu.memref_squeeze %dma_wait3A_48 : memref<1x80x128xi32, #tpu.memory_space<hbm>> -> memref<80x128xi32, #tpu.memory_space<hbm>>
      %dma_wait3A_50 = arith.constant 0 : i32
      %dma_wait3A_51 = arith.constant 0 : i32
      %dma_wait3A_52 = tpu.memref_slice %arg4[%arg1, %dma_wait3A_50, %dma_wait3A_51] : memref<16x80x128xi32, #tpu.memory_space<hbm>> -> memref<1x80x128xi32, #tpu.memory_space<hbm>>
      %dma_wait3A_53 = tpu.memref_squeeze %dma_wait3A_52 : memref<1x80x128xi32, #tpu.memory_space<hbm>> -> memref<80x128xi32, #tpu.memory_space<hbm>>
      tpu.wait_dma2 semaphore(%run_scoped3A_38 : memref<!tpu.dma_semaphore, #tpu.memory_space<semaphore_mem>>) src(%dma_wait3A_53 : memref<80x128xi32, #tpu.memory_space<hbm>>) dst(%arg8 : memref<80x128xi32, #tpu.memory_space<vmem>>)
      tpu.yield
    }) : () -> ()
    %barrier3A = arith.constant 0 : index
    tpu.barrier barrier_id(%barrier3A)
    %run_scoped3A = arith.constant 0 : i32
    "tpu.region"() ({
      %run_scoped3A_38 = tpu.sem_alloc : memref<!tpu.dma_semaphore, #tpu.memory_space<semaphore_mem>>
      %dma_start3A_39 = arith.constant 0 : i32
      %dma_start3A_40 = arith.constant 0 : i32
      %dma_start3A_41 = tpu.memref_slice %arg3[%arg0, %arg1, %run_scoped3A, %dma_start3A_39, %dma_start3A_40] : memref<2x16x2x40x128xi32, #tpu.memory_space<hbm>> -> memref<1x1x1x40x128xi32, #tpu.memory_space<hbm>>
      %dma_start3A_42 = tpu.memref_squeeze %dma_start3A_41 : memref<1x1x1x40x128xi32, #tpu.memory_space<hbm>> -> memref<40x128xi32, #tpu.memory_space<hbm>>
      %dma_start3A_43 = arith.constant 0 : i32
      %dma_start3A_44 = arith.constant 0 : i32
      %dma_start3A_45 = tpu.memref_slice %arg3[%arg0, %arg1, %run_scoped3A, %dma_start3A_43, %dma_start3A_44] : memref<2x16x2x40x128xi32, #tpu.memory_space<hbm>> -> memref<1x1x1x40x128xi32, #tpu.memory_space<hbm>>
      %dma_start3A_46 = tpu.memref_squeeze %dma_start3A_45 : memref<1x1x1x40x128xi32, #tpu.memory_space<hbm>> -> memref<40x128xi32, #tpu.memory_space<hbm>>
      tpu.enqueue_dma source(%dma_start3A_46 : memref<40x128xi32, #tpu.memory_space<hbm>>) target(%arg7 : memref<40x128xi32, #tpu.memory_space<vmem>>) target_semaphore(%run_scoped3A_38 : memref<!tpu.dma_semaphore, #tpu.memory_space<semaphore_mem>>)
      %dma_wait3A = arith.constant 0 : i32
      %dma_wait3A_47 = arith.constant 0 : i32
      %dma_wait3A_48 = tpu.memref_slice %arg3[%arg0, %arg1, %run_scoped3A, %dma_wait3A, %dma_wait3A_47] : memref<2x16x2x40x128xi32, #tpu.memory_space<hbm>> -> memref<1x1x1x40x128xi32, #tpu.memory_space<hbm>>
      %dma_wait3A_49 = tpu.memref_squeeze %dma_wait3A_48 : memref<1x1x1x40x128xi32, #tpu.memory_space<hbm>> -> memref<40x128xi32, #tpu.memory_space<hbm>>
      %dma_wait3A_50 = arith.constant 0 : i32
      %dma_wait3A_51 = arith.constant 0 : i32
      %dma_wait3A_52 = tpu.memref_slice %arg3[%arg0, %arg1, %run_scoped3A, %dma_wait3A_50, %dma_wait3A_51] : memref<2x16x2x40x128xi32, #tpu.memory_space<hbm>> -> memref<1x1x1x40x128xi32, #tpu.memory_space<hbm>>
      %dma_wait3A_53 = tpu.memref_squeeze %dma_wait3A_52 : memref<1x1x1x40x128xi32, #tpu.memory_space<hbm>> -> memref<40x128xi32, #tpu.memory_space<hbm>>
      tpu.wait_dma2 semaphore(%run_scoped3A_38 : memref<!tpu.dma_semaphore, #tpu.memory_space<semaphore_mem>>) src(%dma_wait3A_53 : memref<40x128xi32, #tpu.memory_space<hbm>>) dst(%arg7 : memref<40x128xi32, #tpu.memory_space<vmem>>)
      tpu.yield
    }) : () -> ()
    %dma_start3A = arith.constant 0 : i32
    %dma_start3A_2 = arith.constant 0 : i32
    %dma_start3A_3 = arith.constant 0 : i32
    %dma_start3A_4 = arith.constant 0 : i32
    %dma_start3A_5 = tpu.memref_slice %arg9[%dma_start3A_2, %dma_start3A_3, %dma_start3A_4] : memref<2x128x128xf32, #tpu.memory_space<vmem>> -> memref<1x128x128xf32, #tpu.memory_space<vmem>>
    %dma_start3A_6 = tpu.memref_squeeze %dma_start3A_5 : memref<1x128x128xf32, #tpu.memory_space<vmem>> -> memref<128x128xf32, #tpu.memory_space<vmem>>
    %dma_start3A_7 = arith.constant 0 : i32
    %dma_start3A_8 = tpu.memref_slice %arg7[%dma_start3A, %dma_start3A_7] : memref<40x128xi32, #tpu.memory_space<vmem>> -> memref<1x128xi32, #tpu.memory_space<vmem>>
    %dma_start3A_9 = tpu.memref_squeeze %dma_start3A_8 : memref<1x128xi32, #tpu.memory_space<vmem>> -> memref<128xi32, #tpu.memory_space<vmem>>
    %dma_start3A_10 = arith.constant 0 : i32
    %dma_start3A_11 = arith.constant 0 : i32
    %dma_start3A_12 = tpu.memref_slice %arg2[%dma_start3A_10, %dma_start3A_11] : memref<20000x128xf32, #tpu.memory_space<hbm>> -> memref<20000x128xf32, #tpu.memory_space<hbm>>
    tpu.enqueue_indirect_dma source(%dma_start3A_12 : memref<20000x128xf32, #tpu.memory_space<hbm>>) target(%dma_start3A_6 : memref<128x128xf32, #tpu.memory_space<vmem>>) offsets(%dma_start3A_9 : memref<128xi32, #tpu.memory_space<vmem>>) semaphore(%arg11 : memref<!tpu.dma_semaphore, #tpu.memory_space<semaphore_mem>>)
    %scan3A = arith.constant 0 : i32
    %scan3A_13 = arith.constant 0 : i32
    %scan3A_14 = arith.constant 40 : i32
    %scan3A_15 = arith.addi %scan3A_13, %scan3A_14 : i32
    %scan3A_16 = arith.constant 1 : i32
    scf.for %scan3A_38 = %scan3A_13 to %scan3A_15 step %scan3A_16  : i32 {
      %add3A = arith.constant 1 : i32
      %add3A_39 = arith.addi %scan3A_38, %add3A : i32
      %lt3A = arith.constant 40 : i32
      %lt3A_40 = arith.cmpi slt, %add3A_39, %lt3A : i32
      %convert_element_type3A = arith.extui %lt3A_40 : i1 to i32
      %cond3A = arith.constant 0 : i32
      %cond3A_41 = arith.cmpi ne, %convert_element_type3A, %cond3A : i32
      scf.if %cond3A_41 {
        %rem3A_54 = arith.constant 2 : i32
        %rem3A_55 = arith.remsi %add3A_39, %rem3A_54 : i32
        %dma_start3A_56 = arith.constant 0 : i32
        %dma_start3A_57 = arith.constant 0 : i32
        %dma_start3A_58 = tpu.memref_slice %arg9[%rem3A_55, %dma_start3A_56, %dma_start3A_57] : memref<2x128x128xf32, #tpu.memory_space<vmem>> -> memref<1x128x128xf32, #tpu.memory_space<vmem>>
        %dma_start3A_59 = tpu.memref_squeeze %dma_start3A_58 : memref<1x128x128xf32, #tpu.memory_space<vmem>> -> memref<128x128xf32, #tpu.memory_space<vmem>>
        %dma_start3A_60 = arith.constant 0 : i32
        %dma_start3A_61 = tpu.memref_slice %arg7[%add3A_39, %dma_start3A_60] : memref<40x128xi32, #tpu.memory_space<vmem>> -> memref<1x128xi32, #tpu.memory_space<vmem>>
        %dma_start3A_62 = tpu.memref_squeeze %dma_start3A_61 : memref<1x128xi32, #tpu.memory_space<vmem>> -> memref<128xi32, #tpu.memory_space<vmem>>
        %dma_start3A_63 = arith.constant 0 : i32
        %dma_start3A_64 = arith.constant 0 : i32
        %dma_start3A_65 = tpu.memref_slice %arg2[%dma_start3A_63, %dma_start3A_64] : memref<20000x128xf32, #tpu.memory_space<hbm>> -> memref<20000x128xf32, #tpu.memory_space<hbm>>
        tpu.enqueue_indirect_dma source(%dma_start3A_65 : memref<20000x128xf32, #tpu.memory_space<hbm>>) target(%dma_start3A_59 : memref<128x128xf32, #tpu.memory_space<vmem>>) offsets(%dma_start3A_62 : memref<128xi32, #tpu.memory_space<vmem>>) semaphore(%arg11 : memref<!tpu.dma_semaphore, #tpu.memory_space<semaphore_mem>>)
      } else {
      }
      %rem3A = arith.constant 2 : i32
      %rem3A_42 = arith.remsi %scan3A_38, %rem3A : i32
      %dma_wait3A = arith.constant 0 : i32
      %dma_wait3A_43 = arith.constant 0 : i32
      %dma_wait3A_44 = tpu.memref_slice %arg9[%rem3A_42, %dma_wait3A, %dma_wait3A_43] : memref<2x128x128xf32, #tpu.memory_space<vmem>> -> memref<1x128x128xf32, #tpu.memory_space<vmem>>
      %dma_wait3A_45 = tpu.memref_squeeze %dma_wait3A_44 : memref<1x128x128xf32, #tpu.memory_space<vmem>> -> memref<128x128xf32, #tpu.memory_space<vmem>>
      %dma_wait3A_46 = arith.constant 0 : i32
      %dma_wait3A_47 = tpu.memref_slice %arg7[%scan3A_38, %dma_wait3A_46] : memref<40x128xi32, #tpu.memory_space<vmem>> -> memref<1x128xi32, #tpu.memory_space<vmem>>
      %dma_wait3A_48 = tpu.memref_squeeze %dma_wait3A_47 : memref<1x128xi32, #tpu.memory_space<vmem>> -> memref<128xi32, #tpu.memory_space<vmem>>
      %dma_wait3A_49 = arith.constant 0 : i32
      %dma_wait3A_50 = arith.constant 0 : i32
      %dma_wait3A_51 = tpu.memref_slice %arg2[%dma_wait3A_49, %dma_wait3A_50] : memref<20000x128xf32, #tpu.memory_space<hbm>> -> memref<20000x128xf32, #tpu.memory_space<hbm>>
      tpu.wait_indirect_dma semaphore(%arg11 : memref<!tpu.dma_semaphore, #tpu.memory_space<semaphore_mem>>) src(%dma_wait3A_51 : memref<20000x128xf32, #tpu.memory_space<hbm>>) dst(%dma_wait3A_45 : memref<128x128xf32, #tpu.memory_space<vmem>>)
      %add3A_52 = arith.constant 0 : i32
      %add3A_53 = arith.addi %add3A_52, %scan3A_38 : i32
      "tpu.region"() ({
        %run_scoped3A_54 = tpu.sem_alloc : memref<!tpu.dma_semaphore, #tpu.memory_space<semaphore_mem>>
        %dma_start3A_55 = arith.constant 0 : i32
        %dma_start3A_56 = arith.constant 0 : i32
        %dma_start3A_57 = tpu.memref_slice %arg9[%rem3A_42, %dma_start3A_55, %dma_start3A_56] : memref<2x128x128xf32, #tpu.memory_space<vmem>> -> memref<1x128x128xf32, #tpu.memory_space<vmem>>
        %dma_start3A_58 = tpu.memref_squeeze %dma_start3A_57 : memref<1x128x128xf32, #tpu.memory_space<vmem>> -> memref<128x128xf32, #tpu.memory_space<vmem>>
        %dma_start3A_59 = arith.constant 0 : i32
        %dma_start3A_60 = tpu.memref_slice %arg8[%add3A_53, %dma_start3A_59] : memref<80x128xi32, #tpu.memory_space<vmem>> -> memref<1x128xi32, #tpu.memory_space<vmem>>
        %dma_start3A_61 = tpu.memref_squeeze %dma_start3A_60 : memref<1x128xi32, #tpu.memory_space<vmem>> -> memref<128xi32, #tpu.memory_space<vmem>>
        %dma_start3A_62 = arith.constant 0 : i32
        %dma_start3A_63 = arith.constant 0 : i32
        %dma_start3A_64 = tpu.memref_slice %arg10[%dma_start3A_62, %dma_start3A_63] : memref<10064x128xf32, #tpu.memory_space<vmem_shared>> -> memref<10064x128xf32, #tpu.memory_space<vmem_shared>>
        tpu.enqueue_indirect_dma source(%dma_start3A_58 : memref<128x128xf32, #tpu.memory_space<vmem>>) target(%dma_start3A_64 : memref<10064x128xf32, #tpu.memory_space<vmem_shared>>) offsets(%dma_start3A_61 : memref<128xi32, #tpu.memory_space<vmem>>) semaphore(%run_scoped3A_54 : memref<!tpu.dma_semaphore, #tpu.memory_space<semaphore_mem>>) {add = true}
        %dma_wait3A_65 = arith.constant 0 : i32
        %dma_wait3A_66 = arith.constant 0 : i32
        %dma_wait3A_67 = tpu.memref_slice %arg9[%rem3A_42, %dma_wait3A_65, %dma_wait3A_66] : memref<2x128x128xf32, #tpu.memory_space<vmem>> -> memref<1x128x128xf32, #tpu.memory_space<vmem>>
        %dma_wait3A_68 = tpu.memref_squeeze %dma_wait3A_67 : memref<1x128x128xf32, #tpu.memory_space<vmem>> -> memref<128x128xf32, #tpu.memory_space<vmem>>
        %dma_wait3A_69 = arith.constant 0 : i32
        %dma_wait3A_70 = tpu.memref_slice %arg8[%add3A_53, %dma_wait3A_69] : memref<80x128xi32, #tpu.memory_space<vmem>> -> memref<1x128xi32, #tpu.memory_space<vmem>>
        %dma_wait3A_71 = tpu.memref_squeeze %dma_wait3A_70 : memref<1x128xi32, #tpu.memory_space<vmem>> -> memref<128xi32, #tpu.memory_space<vmem>>
        %dma_wait3A_72 = arith.constant 0 : i32
        %dma_wait3A_73 = arith.constant 0 : i32
        %dma_wait3A_74 = tpu.memref_slice %arg10[%dma_wait3A_72, %dma_wait3A_73] : memref<10064x128xf32, #tpu.memory_space<vmem_shared>> -> memref<10064x128xf32, #tpu.memory_space<vmem_shared>>
        tpu.wait_indirect_dma semaphore(%run_scoped3A_54 : memref<!tpu.dma_semaphore, #tpu.memory_space<semaphore_mem>>) src(%dma_wait3A_68 : memref<128x128xf32, #tpu.memory_space<vmem>>) dst(%dma_wait3A_74 : memref<10064x128xf32, #tpu.memory_space<vmem_shared>>)
        tpu.yield
      }) : () -> ()
    }
    %scan3A_17 = arith.constant 40 : i32
    %run_scoped3A_18 = arith.constant 1 : i32
    "tpu.region"() ({
      %run_scoped3A_38 = tpu.sem_alloc : memref<!tpu.dma_semaphore, #tpu.memory_space<semaphore_mem>>
      %dma_start3A_39 = arith.constant 0 : i32
      %dma_start3A_40 = arith.constant 0 : i32
      %dma_start3A_41 = tpu.memref_slice %arg3[%arg0, %arg1, %run_scoped3A_18, %dma_start3A_39, %dma_start3A_40] : memref<2x16x2x40x128xi32, #tpu.memory_space<hbm>> -> memref<1x1x1x40x128xi32, #tpu.memory_space<hbm>>
      %dma_start3A_42 = tpu.memref_squeeze %dma_start3A_41 : memref<1x1x1x40x128xi32, #tpu.memory_space<hbm>> -> memref<40x128xi32, #tpu.memory_space<hbm>>
      %dma_start3A_43 = arith.constant 0 : i32
      %dma_start3A_44 = arith.constant 0 : i32
      %dma_start3A_45 = tpu.memref_slice %arg3[%arg0, %arg1, %run_scoped3A_18, %dma_start3A_43, %dma_start3A_44] : memref<2x16x2x40x128xi32, #tpu.memory_space<hbm>> -> memref<1x1x1x40x128xi32, #tpu.memory_space<hbm>>
      %dma_start3A_46 = tpu.memref_squeeze %dma_start3A_45 : memref<1x1x1x40x128xi32, #tpu.memory_space<hbm>> -> memref<40x128xi32, #tpu.memory_space<hbm>>
      tpu.enqueue_dma source(%dma_start3A_46 : memref<40x128xi32, #tpu.memory_space<hbm>>) target(%arg7 : memref<40x128xi32, #tpu.memory_space<vmem>>) target_semaphore(%run_scoped3A_38 : memref<!tpu.dma_semaphore, #tpu.memory_space<semaphore_mem>>)
      %dma_wait3A = arith.constant 0 : i32
      %dma_wait3A_47 = arith.constant 0 : i32
      %dma_wait3A_48 = tpu.memref_slice %arg3[%arg0, %arg1, %run_scoped3A_18, %dma_wait3A, %dma_wait3A_47] : memref<2x16x2x40x128xi32, #tpu.memory_space<hbm>> -> memref<1x1x1x40x128xi32, #tpu.memory_space<hbm>>
      %dma_wait3A_49 = tpu.memref_squeeze %dma_wait3A_48 : memref<1x1x1x40x128xi32, #tpu.memory_space<hbm>> -> memref<40x128xi32, #tpu.memory_space<hbm>>
      %dma_wait3A_50 = arith.constant 0 : i32
      %dma_wait3A_51 = arith.constant 0 : i32
      %dma_wait3A_52 = tpu.memref_slice %arg3[%arg0, %arg1, %run_scoped3A_18, %dma_wait3A_50, %dma_wait3A_51] : memref<2x16x2x40x128xi32, #tpu.memory_space<hbm>> -> memref<1x1x1x40x128xi32, #tpu.memory_space<hbm>>
      %dma_wait3A_53 = tpu.memref_squeeze %dma_wait3A_52 : memref<1x1x1x40x128xi32, #tpu.memory_space<hbm>> -> memref<40x128xi32, #tpu.memory_space<hbm>>
      tpu.wait_dma2 semaphore(%run_scoped3A_38 : memref<!tpu.dma_semaphore, #tpu.memory_space<semaphore_mem>>) src(%dma_wait3A_53 : memref<40x128xi32, #tpu.memory_space<hbm>>) dst(%arg7 : memref<40x128xi32, #tpu.memory_space<vmem>>)
      tpu.yield
    }) : () -> ()
    %dma_start3A_19 = arith.constant 0 : i32
    %dma_start3A_20 = arith.constant 0 : i32
    %dma_start3A_21 = arith.constant 0 : i32
    %dma_start3A_22 = arith.constant 0 : i32
    %dma_start3A_23 = tpu.memref_slice %arg9[%dma_start3A_20, %dma_start3A_21, %dma_start3A_22] : memref<2x128x128xf32, #tpu.memory_space<vmem>> -> memref<1x128x128xf32, #tpu.memory_space<vmem>>
    %dma_start3A_24 = tpu.memref_squeeze %dma_start3A_23 : memref<1x128x128xf32, #tpu.memory_space<vmem>> -> memref<128x128xf32, #tpu.memory_space<vmem>>
    %dma_start3A_25 = arith.constant 0 : i32
    %dma_start3A_26 = tpu.memref_slice %arg7[%dma_start3A_19, %dma_start3A_25] : memref<40x128xi32, #tpu.memory_space<vmem>> -> memref<1x128xi32, #tpu.memory_space<vmem>>
    %dma_start3A_27 = tpu.memref_squeeze %dma_start3A_26 : memref<1x128xi32, #tpu.memory_space<vmem>> -> memref<128xi32, #tpu.memory_space<vmem>>
    %dma_start3A_28 = arith.constant 0 : i32
    %dma_start3A_29 = arith.constant 0 : i32
    %dma_start3A_30 = tpu.memref_slice %arg2[%dma_start3A_28, %dma_start3A_29] : memref<20000x128xf32, #tpu.memory_space<hbm>> -> memref<20000x128xf32, #tpu.memory_space<hbm>>
    tpu.enqueue_indirect_dma source(%dma_start3A_30 : memref<20000x128xf32, #tpu.memory_space<hbm>>) target(%dma_start3A_24 : memref<128x128xf32, #tpu.memory_space<vmem>>) offsets(%dma_start3A_27 : memref<128xi32, #tpu.memory_space<vmem>>) semaphore(%arg11 : memref<!tpu.dma_semaphore, #tpu.memory_space<semaphore_mem>>)
    %scan3A_31 = arith.constant 0 : i32
    %scan3A_32 = arith.constant 0 : i32
    %scan3A_33 = arith.constant 40 : i32
    %scan3A_34 = arith.addi %scan3A_32, %scan3A_33 : i32
    %scan3A_35 = arith.constant 1 : i32
    scf.for %scan3A_38 = %scan3A_32 to %scan3A_34 step %scan3A_35  : i32 {
      %add3A = arith.constant 1 : i32
      %add3A_39 = arith.addi %scan3A_38, %add3A : i32
      %lt3A = arith.constant 40 : i32
      %lt3A_40 = arith.cmpi slt, %add3A_39, %lt3A : i32
      %convert_element_type3A = arith.extui %lt3A_40 : i1 to i32
      %cond3A = arith.constant 0 : i32
      %cond3A_41 = arith.cmpi ne, %convert_element_type3A, %cond3A : i32
      scf.if %cond3A_41 {
        %rem3A_54 = arith.constant 2 : i32
        %rem3A_55 = arith.remsi %add3A_39, %rem3A_54 : i32
        %dma_start3A_56 = arith.constant 0 : i32
        %dma_start3A_57 = arith.constant 0 : i32
        %dma_start3A_58 = tpu.memref_slice %arg9[%rem3A_55, %dma_start3A_56, %dma_start3A_57] : memref<2x128x128xf32, #tpu.memory_space<vmem>> -> memref<1x128x128xf32, #tpu.memory_space<vmem>>
        %dma_start3A_59 = tpu.memref_squeeze %dma_start3A_58 : memref<1x128x128xf32, #tpu.memory_space<vmem>> -> memref<128x128xf32, #tpu.memory_space<vmem>>
        %dma_start3A_60 = arith.constant 0 : i32
        %dma_start3A_61 = tpu.memref_slice %arg7[%add3A_39, %dma_start3A_60] : memref<40x128xi32, #tpu.memory_space<vmem>> -> memref<1x128xi32, #tpu.memory_space<vmem>>
        %dma_start3A_62 = tpu.memref_squeeze %dma_start3A_61 : memref<1x128xi32, #tpu.memory_space<vmem>> -> memref<128xi32, #tpu.memory_space<vmem>>
        %dma_start3A_63 = arith.constant 0 : i32
        %dma_start3A_64 = arith.constant 0 : i32
        %dma_start3A_65 = tpu.memref_slice %arg2[%dma_start3A_63, %dma_start3A_64] : memref<20000x128xf32, #tpu.memory_space<hbm>> -> memref<20000x128xf32, #tpu.memory_space<hbm>>
        tpu.enqueue_indirect_dma source(%dma_start3A_65 : memref<20000x128xf32, #tpu.memory_space<hbm>>) target(%dma_start3A_59 : memref<128x128xf32, #tpu.memory_space<vmem>>) offsets(%dma_start3A_62 : memref<128xi32, #tpu.memory_space<vmem>>) semaphore(%arg11 : memref<!tpu.dma_semaphore, #tpu.memory_space<semaphore_mem>>)
      } else {
      }
      %rem3A = arith.constant 2 : i32
      %rem3A_42 = arith.remsi %scan3A_38, %rem3A : i32
      %dma_wait3A = arith.constant 0 : i32
      %dma_wait3A_43 = arith.constant 0 : i32
      %dma_wait3A_44 = tpu.memref_slice %arg9[%rem3A_42, %dma_wait3A, %dma_wait3A_43] : memref<2x128x128xf32, #tpu.memory_space<vmem>> -> memref<1x128x128xf32, #tpu.memory_space<vmem>>
      %dma_wait3A_45 = tpu.memref_squeeze %dma_wait3A_44 : memref<1x128x128xf32, #tpu.memory_space<vmem>> -> memref<128x128xf32, #tpu.memory_space<vmem>>
      %dma_wait3A_46 = arith.constant 0 : i32
      %dma_wait3A_47 = tpu.memref_slice %arg7[%scan3A_38, %dma_wait3A_46] : memref<40x128xi32, #tpu.memory_space<vmem>> -> memref<1x128xi32, #tpu.memory_space<vmem>>
      %dma_wait3A_48 = tpu.memref_squeeze %dma_wait3A_47 : memref<1x128xi32, #tpu.memory_space<vmem>> -> memref<128xi32, #tpu.memory_space<vmem>>
      %dma_wait3A_49 = arith.constant 0 : i32
      %dma_wait3A_50 = arith.constant 0 : i32
      %dma_wait3A_51 = tpu.memref_slice %arg2[%dma_wait3A_49, %dma_wait3A_50] : memref<20000x128xf32, #tpu.memory_space<hbm>> -> memref<20000x128xf32, #tpu.memory_space<hbm>>
      tpu.wait_indirect_dma semaphore(%arg11 : memref<!tpu.dma_semaphore, #tpu.memory_space<semaphore_mem>>) src(%dma_wait3A_51 : memref<20000x128xf32, #tpu.memory_space<hbm>>) dst(%dma_wait3A_45 : memref<128x128xf32, #tpu.memory_space<vmem>>)
      %add3A_52 = arith.constant 40 : i32
      %add3A_53 = arith.addi %add3A_52, %scan3A_38 : i32
      "tpu.region"() ({
        %run_scoped3A_54 = tpu.sem_alloc : memref<!tpu.dma_semaphore, #tpu.memory_space<semaphore_mem>>
        %dma_start3A_55 = arith.constant 0 : i32
        %dma_start3A_56 = arith.constant 0 : i32
        %dma_start3A_57 = tpu.memref_slice %arg9[%rem3A_42, %dma_start3A_55, %dma_start3A_56] : memref<2x128x128xf32, #tpu.memory_space<vmem>> -> memref<1x128x128xf32, #tpu.memory_space<vmem>>
        %dma_start3A_58 = tpu.memref_squeeze %dma_start3A_57 : memref<1x128x128xf32, #tpu.memory_space<vmem>> -> memref<128x128xf32, #tpu.memory_space<vmem>>
        %dma_start3A_59 = arith.constant 0 : i32
        %dma_start3A_60 = tpu.memref_slice %arg8[%add3A_53, %dma_start3A_59] : memref<80x128xi32, #tpu.memory_space<vmem>> -> memref<1x128xi32, #tpu.memory_space<vmem>>
        %dma_start3A_61 = tpu.memref_squeeze %dma_start3A_60 : memref<1x128xi32, #tpu.memory_space<vmem>> -> memref<128xi32, #tpu.memory_space<vmem>>
        %dma_start3A_62 = arith.constant 0 : i32
        %dma_start3A_63 = arith.constant 0 : i32
        %dma_start3A_64 = tpu.memref_slice %arg10[%dma_start3A_62, %dma_start3A_63] : memref<10064x128xf32, #tpu.memory_space<vmem_shared>> -> memref<10064x128xf32, #tpu.memory_space<vmem_shared>>
        tpu.enqueue_indirect_dma source(%dma_start3A_58 : memref<128x128xf32, #tpu.memory_space<vmem>>) target(%dma_start3A_64 : memref<10064x128xf32, #tpu.memory_space<vmem_shared>>) offsets(%dma_start3A_61 : memref<128xi32, #tpu.memory_space<vmem>>) semaphore(%run_scoped3A_54 : memref<!tpu.dma_semaphore, #tpu.memory_space<semaphore_mem>>) {add = true}
        %dma_wait3A_65 = arith.constant 0 : i32
        %dma_wait3A_66 = arith.constant 0 : i32
        %dma_wait3A_67 = tpu.memref_slice %arg9[%rem3A_42, %dma_wait3A_65, %dma_wait3A_66] : memref<2x128x128xf32, #tpu.memory_space<vmem>> -> memref<1x128x128xf32, #tpu.memory_space<vmem>>
        %dma_wait3A_68 = tpu.memref_squeeze %dma_wait3A_67 : memref<1x128x128xf32, #tpu.memory_space<vmem>> -> memref<128x128xf32, #tpu.memory_space<vmem>>
        %dma_wait3A_69 = arith.constant 0 : i32
        %dma_wait3A_70 = tpu.memref_slice %arg8[%add3A_53, %dma_wait3A_69] : memref<80x128xi32, #tpu.memory_space<vmem>> -> memref<1x128xi32, #tpu.memory_space<vmem>>
        %dma_wait3A_71 = tpu.memref_squeeze %dma_wait3A_70 : memref<1x128xi32, #tpu.memory_space<vmem>> -> memref<128xi32, #tpu.memory_space<vmem>>
        %dma_wait3A_72 = arith.constant 0 : i32
        %dma_wait3A_73 = arith.constant 0 : i32
        %dma_wait3A_74 = tpu.memref_slice %arg10[%dma_wait3A_72, %dma_wait3A_73] : memref<10064x128xf32, #tpu.memory_space<vmem_shared>> -> memref<10064x128xf32, #tpu.memory_space<vmem_shared>>
        tpu.wait_indirect_dma semaphore(%run_scoped3A_54 : memref<!tpu.dma_semaphore, #tpu.memory_space<semaphore_mem>>) src(%dma_wait3A_68 : memref<128x128xf32, #tpu.memory_space<vmem>>) dst(%dma_wait3A_74 : memref<10064x128xf32, #tpu.memory_space<vmem_shared>>)
        tpu.yield
      }) : () -> ()
    }
    %scan3A_36 = arith.constant 40 : i32
    %barrier3A_37 = arith.constant 0 : index
    tpu.barrier barrier_id(%barrier3A_37)
    "tpu.region"() ({
      %run_scoped3A_38 = tpu.sem_alloc : memref<!tpu.dma_semaphore, #tpu.memory_space<semaphore_mem>>
      %dma_start3A_39 = arith.constant 0 : i32
      %dma_start3A_40 = tpu.memref_slice %arg6[%arg0, %multiple_of3A, %dma_start3A_39] : memref<2x10000x128xf32, #tpu.memory_space<hbm>> -> memref<1x640x128xf32, #tpu.memory_space<hbm>>
      %dma_start3A_41 = tpu.memref_squeeze %dma_start3A_40 : memref<1x640x128xf32, #tpu.memory_space<hbm>> -> memref<640x128xf32, #tpu.memory_space<hbm>>
      %dma_start3A_42 = arith.constant 0 : i32
      %dma_start3A_43 = tpu.memref_slice %arg10[%multiple_of3A, %dma_start3A_42] : memref<10064x128xf32, #tpu.memory_space<vmem_shared>> -> memref<640x128xf32, #tpu.memory_space<vmem_shared>>
      tpu.enqueue_dma source(%dma_start3A_43 : memref<640x128xf32, #tpu.memory_space<vmem_shared>>) target(%dma_start3A_41 : memref<640x128xf32, #tpu.memory_space<hbm>>) target_semaphore(%run_scoped3A_38 : memref<!tpu.dma_semaphore, #tpu.memory_space<semaphore_mem>>)
      %dma_wait3A = arith.constant 0 : i32
      %dma_wait3A_44 = tpu.memref_slice %arg6[%arg0, %multiple_of3A, %dma_wait3A] : memref<2x10000x128xf32, #tpu.memory_space<hbm>> -> memref<1x640x128xf32, #tpu.memory_space<hbm>>
      %dma_wait3A_45 = tpu.memref_squeeze %dma_wait3A_44 : memref<1x640x128xf32, #tpu.memory_space<hbm>> -> memref<640x128xf32, #tpu.memory_space<hbm>>
      %dma_wait3A_46 = arith.constant 0 : i32
      %dma_wait3A_47 = tpu.memref_slice %arg10[%multiple_of3A, %dma_wait3A_46] : memref<10064x128xf32, #tpu.memory_space<vmem_shared>> -> memref<640x128xf32, #tpu.memory_space<vmem_shared>>
      tpu.wait_dma2 semaphore(%run_scoped3A_38 : memref<!tpu.dma_semaphore, #tpu.memory_space<semaphore_mem>>) src(%dma_wait3A_47 : memref<640x128xf32, #tpu.memory_space<vmem_shared>>) dst(%dma_wait3A_45 : memref<640x128xf32, #tpu.memory_space<hbm>>)
      tpu.yield
    }) : () -> ()
    return
  }
}

module attributes {stable_mosaic.version = 14 : i64} {
  func.func @_layer1_body(%arg0: i32, %arg1: memref<1x1x1000xi32, #tpu.memory_space<vmem>>, %arg2: memref<1x1000x64xf32, #tpu.memory_space<vmem>>, %arg3: memref<1x1000x64xf32, #tpu.memory_space<vmem>>, %arg4: memref<1x1000x8xf32, #tpu.memory_space<vmem>>, %arg5: memref<1x1000x8xf32, #tpu.memory_space<vmem>>, %arg6: memref<64x256xf32, #tpu.memory_space<vmem>>, %arg7: memref<8x256xf32, #tpu.memory_space<vmem>>, %arg8: memref<2x256x256xf32, #tpu.memory_space<vmem>>, %arg9: memref<2x256x256xf32, #tpu.memory_space<vmem>>, %arg10: memref<2x1000x128xf32, #tpu.memory_space<vmem>>, %arg11: memref<1000x256xf32, #tpu.memory_space<vmem>>) attributes {dimension_semantics = [#tpu.dimension_semantics<arbitrary>], iteration_bounds = array<i64: 10>, scalar_prefetch = 0 : i64, scratch_operands = 0 : i64, tpu.core_type = #tpu.core_type<tc>, window_params = [{transform_indices = @transform_0, window_bounds = array<i64: 1, 1, 1000>}, {transform_indices = @transform_1, window_bounds = array<i64: 1, 1000, 64>}, {transform_indices = @transform_2, window_bounds = array<i64: 1, 1000, 64>}, {transform_indices = @transform_3, window_bounds = array<i64: 1, 1000, 8>}, {transform_indices = @transform_4, window_bounds = array<i64: 1, 1000, 8>}, {pipeline_mode = #tpu.pipeline_mode<synchronous>, transform_indices = @transform_5, window_bounds = array<i64: 64, 256>}, {pipeline_mode = #tpu.pipeline_mode<synchronous>, transform_indices = @transform_6, window_bounds = array<i64: 8, 256>}, {pipeline_mode = #tpu.pipeline_mode<synchronous>, transform_indices = @transform_7, window_bounds = array<i64: 2, 256, 256>}, {pipeline_mode = #tpu.pipeline_mode<synchronous>, transform_indices = @transform_8, window_bounds = array<i64: 2, 256, 256>}, {transform_indices = @transform_9, window_bounds = array<i64: 2, 1000, 128>}, {transform_indices = @transform_10, window_bounds = array<i64: 1000, 256>}]} {
    %get3A = arith.constant 0 : index
    %get3A_0 = arith.constant 0 : index
    %get3A_1 = vector.load %arg6[%get3A, %get3A_0] : memref<64x256xf32, #tpu.memory_space<vmem>>, vector<64x256xf32>
    %get3A_2 = arith.constant 0 : index
    %get3A_3 = arith.constant 0 : index
    %get3A_4 = arith.constant 0 : index
    %get3A_5 = vector.load %arg8[%get3A_2, %get3A_3, %get3A_4] : memref<2x256x256xf32, #tpu.memory_space<vmem>>, vector<1x256x256xf32>
    %get3A_6 = vector.shape_cast %get3A_5 : vector<1x256x256xf32> to vector<256x256xf32>
    %dot_general3A = arith.constant dense<0.000000e+00> : vector<64x256xf32>
    %dot_general3A_7 = tpu.matmul %get3A_1, %get3A_6, %dot_general3A {dimension_numbers = #tpu.dot_dimension_numbers<[1], [0], [0], [1], [0, 0, 1, 1], [], []>, transpose_lhs_hint = false} : vector<64x256xf32>, vector<256x256xf32>, vector<64x256xf32> -> vector<64x256xf32>
    %get3A_8 = arith.constant 0 : index
    %get3A_9 = arith.constant 0 : index
    %get3A_10 = vector.load %arg7[%get3A_8, %get3A_9] : memref<8x256xf32, #tpu.memory_space<vmem>>, vector<8x256xf32>
    %get3A_11 = arith.constant 0 : index
    %get3A_12 = arith.constant 0 : index
    %get3A_13 = arith.constant 0 : index
    %get3A_14 = vector.load %arg8[%get3A_11, %get3A_12, %get3A_13] : memref<2x256x256xf32, #tpu.memory_space<vmem>>, vector<1x256x256xf32>
    %get3A_15 = vector.shape_cast %get3A_14 : vector<1x256x256xf32> to vector<256x256xf32>
    %dot_general3A_16 = arith.constant dense<0.000000e+00> : vector<8x256xf32>
    %dot_general3A_17 = tpu.matmul %get3A_10, %get3A_15, %dot_general3A_16 {dimension_numbers = #tpu.dot_dimension_numbers<[1], [0], [0], [1], [0, 0, 1, 1], [], []>, transpose_lhs_hint = false} : vector<8x256xf32>, vector<256x256xf32>, vector<8x256xf32> -> vector<8x256xf32>
    %get3A_18 = arith.constant 0 : index
    %get3A_19 = arith.constant 0 : index
    %get3A_20 = vector.load %arg7[%get3A_18, %get3A_19] : memref<8x256xf32, #tpu.memory_space<vmem>>, vector<8x256xf32>
    %get3A_21 = arith.constant 1 : index
    %get3A_22 = arith.constant 0 : index
    %get3A_23 = arith.constant 0 : index
    %get3A_24 = vector.load %arg8[%get3A_21, %get3A_22, %get3A_23] : memref<2x256x256xf32, #tpu.memory_space<vmem>>, vector<1x256x256xf32>
    %get3A_25 = vector.shape_cast %get3A_24 : vector<1x256x256xf32> to vector<256x256xf32>
    %dot_general3A_26 = arith.constant dense<0.000000e+00> : vector<8x256xf32>
    %dot_general3A_27 = tpu.matmul %get3A_20, %get3A_25, %dot_general3A_26 {dimension_numbers = #tpu.dot_dimension_numbers<[1], [0], [0], [1], [0, 0, 1, 1], [], []>, transpose_lhs_hint = false} : vector<8x256xf32>, vector<256x256xf32>, vector<8x256xf32> -> vector<8x256xf32>
    %get3A_28 = arith.constant 0 : index
    %get3A_29 = arith.constant 0 : index
    %get3A_30 = vector.load %arg6[%get3A_28, %get3A_29] : memref<64x256xf32, #tpu.memory_space<vmem>>, vector<64x256xf32>
    %get3A_31 = arith.constant 0 : index
    %get3A_32 = arith.constant 0 : index
    %get3A_33 = arith.constant 0 : index
    %get3A_34 = vector.load %arg9[%get3A_31, %get3A_32, %get3A_33] : memref<2x256x256xf32, #tpu.memory_space<vmem>>, vector<1x256x256xf32>
    %get3A_35 = vector.shape_cast %get3A_34 : vector<1x256x256xf32> to vector<256x256xf32>
    %dot_general3A_36 = arith.constant dense<0.000000e+00> : vector<64x256xf32>
    %dot_general3A_37 = tpu.matmul %get3A_30, %get3A_35, %dot_general3A_36 {dimension_numbers = #tpu.dot_dimension_numbers<[1], [0], [0], [1], [0, 0, 1, 1], [], []>, transpose_lhs_hint = false} : vector<64x256xf32>, vector<256x256xf32>, vector<64x256xf32> -> vector<64x256xf32>
    %get3A_38 = arith.constant 0 : index
    %get3A_39 = arith.constant 0 : index
    %get3A_40 = arith.constant 0 : index
    %get3A_41 = vector.load %arg2[%get3A_38, %get3A_39, %get3A_40] : memref<1x1000x64xf32, #tpu.memory_space<vmem>>, vector<1x1000x64xf32>
    %get3A_42 = vector.shape_cast %get3A_41 : vector<1x1000x64xf32> to vector<1000x64xf32>
    %get3A_43 = arith.constant 0 : index
    %get3A_44 = arith.constant 0 : index
    %get3A_45 = arith.constant 0 : index
    %get3A_46 = vector.load %arg3[%get3A_43, %get3A_44, %get3A_45] : memref<1x1000x64xf32, #tpu.memory_space<vmem>>, vector<1x1000x64xf32>
    %get3A_47 = vector.shape_cast %get3A_46 : vector<1x1000x64xf32> to vector<1000x64xf32>
    %add3A = arith.addf %get3A_42, %get3A_47 : vector<1000x64xf32>
    %get3A_48 = arith.constant 0 : index
    %get3A_49 = arith.constant 0 : index
    %get3A_50 = arith.constant 0 : index
    %get3A_51 = vector.load %arg4[%get3A_48, %get3A_49, %get3A_50] : memref<1x1000x8xf32, #tpu.memory_space<vmem>>, vector<1x1000x8xf32>
    %get3A_52 = vector.shape_cast %get3A_51 : vector<1x1000x8xf32> to vector<1000x8xf32>
    %get3A_53 = arith.constant 0 : index
    %get3A_54 = arith.constant 0 : index
    %get3A_55 = arith.constant 0 : index
    %get3A_56 = vector.load %arg5[%get3A_53, %get3A_54, %get3A_55] : memref<1x1000x8xf32, #tpu.memory_space<vmem>>, vector<1x1000x8xf32>
    %get3A_57 = vector.shape_cast %get3A_56 : vector<1x1000x8xf32> to vector<1000x8xf32>
    %add3A_58 = arith.addf %get3A_52, %get3A_57 : vector<1000x8xf32>
    %get3A_59 = arith.constant 0 : index
    %get3A_60 = arith.constant 0 : index
    %get3A_61 = arith.constant 0 : index
    %get3A_62 = vector.load %arg1[%get3A_59, %get3A_60, %get3A_61] : memref<1x1x1000xi32, #tpu.memory_space<vmem>>, vector<1x1x1000xi32>
    %get3A_63 = vector.shape_cast %get3A_62 : vector<1x1x1000xi32> to vector<1000xi32>
    %broadcast_in_dim3A = vector.shape_cast %get3A_63 : vector<1000xi32> to vector<1000x1xi32>
    %iota3A = tpu.iota {dimensions = array<i32: 1>} : vector<1000x64xi32>
    %eq3A = vector.broadcast %broadcast_in_dim3A : vector<1000x1xi32> to vector<1000x64xi32>
    %eq3A_64 = arith.cmpi eq, %eq3A, %iota3A : vector<1000x64xi32>
    %convert_element_type3A = arith.extui %eq3A_64 : vector<1000x64xi1> to vector<1000x64xi32>
    %convert_element_type3A_65 = arith.sitofp %convert_element_type3A : vector<1000x64xi32> to vector<1000x64xf32>
    %dot_general3A_66 = arith.constant dense<0.000000e+00> : vector<1000x256xf32>
    %dot_general3A_67 = tpu.matmul %convert_element_type3A_65, %dot_general3A_37, %dot_general3A_66 {dimension_numbers = #tpu.dot_dimension_numbers<[1], [0], [0], [1], [0, 0, 1, 1], [], []>, transpose_lhs_hint = false} : vector<1000x64xf32>, vector<64x256xf32>, vector<1000x256xf32> -> vector<1000x256xf32>
    %dot_general3A_68 = arith.constant dense<0.000000e+00> : vector<1000x256xf32>
    %dot_general3A_69 = tpu.matmul %add3A, %dot_general3A_7, %dot_general3A_68 {dimension_numbers = #tpu.dot_dimension_numbers<[1], [0], [0], [1], [0, 0, 1, 1], [], []>, transpose_lhs_hint = false} : vector<1000x64xf32>, vector<64x256xf32>, vector<1000x256xf32> -> vector<1000x256xf32>
    %add3A_70 = arith.addf %dot_general3A_67, %dot_general3A_69 : vector<1000x256xf32>
    %dot_general3A_71 = arith.constant dense<0.000000e+00> : vector<1000x256xf32>
    %dot_general3A_72 = tpu.matmul %add3A_58, %dot_general3A_17, %dot_general3A_71 {dimension_numbers = #tpu.dot_dimension_numbers<[1], [0], [0], [1], [0, 0, 1, 1], [], []>, transpose_lhs_hint = false} : vector<1000x8xf32>, vector<8x256xf32>, vector<1000x256xf32> -> vector<1000x256xf32>
    %add3A_73 = arith.addf %add3A_70, %dot_general3A_72 : vector<1000x256xf32>
    %max3A = arith.constant 0.000000e+00 : f32
    %max3A_74 = vector.broadcast %max3A : f32 to vector<1000x256xf32>
    %max3A_75 = arith.maximumf %add3A_73, %max3A_74 : vector<1000x256xf32>
    %get3A_76 = arith.constant 1 : index
    %get3A_77 = arith.constant 0 : index
    %get3A_78 = arith.constant 0 : index
    %get3A_79 = vector.load %arg8[%get3A_76, %get3A_77, %get3A_78] : memref<2x256x256xf32, #tpu.memory_space<vmem>>, vector<1x256x256xf32>
    %get3A_80 = vector.shape_cast %get3A_79 : vector<1x256x256xf32> to vector<256x256xf32>
    %dot_general3A_81 = arith.constant dense<0.000000e+00> : vector<1000x256xf32>
    %dot_general3A_82 = tpu.matmul %max3A_75, %get3A_80, %dot_general3A_81 {dimension_numbers = #tpu.dot_dimension_numbers<[1], [0], [0], [1], [0, 0, 1, 1], [], []>, transpose_lhs_hint = false} : vector<1000x256xf32>, vector<256x256xf32>, vector<1000x256xf32> -> vector<1000x256xf32>
    %slice3A = vector.extract_strided_slice %dot_general3A_82 {offsets = [0, 0], sizes = [1000, 128], strides = [1, 1]} : vector<1000x256xf32> to vector<1000x128xf32>
    %swap3A = arith.constant 0 : index
    %swap3A_83 = arith.constant 0 : index
    %swap3A_84 = arith.constant 0 : index
    %swap3A_85 = vector.load %arg10[%swap3A, %swap3A_83, %swap3A_84] : memref<2x1000x128xf32, #tpu.memory_space<vmem>>, vector<1x1000x128xf32>
    %swap3A_86 = vector.shape_cast %swap3A_85 : vector<1x1000x128xf32> to vector<1000x128xf32>
    %swap3A_87 = vector.shape_cast %slice3A : vector<1000x128xf32> to vector<1x1000x128xf32>
    tpu.vector_store %arg10[%swap3A, %swap3A_83, %swap3A_84], %swap3A_87 {strides = array<i32>} : memref<2x1000x128xf32, #tpu.memory_space<vmem>>, vector<1x1000x128xf32>,
    %slice3A_88 = vector.extract_strided_slice %dot_general3A_82 {offsets = [0, 128], sizes = [1000, 128], strides = [1, 1]} : vector<1000x256xf32> to vector<1000x128xf32>
    %swap3A_89 = arith.constant 1 : index
    %swap3A_90 = arith.constant 0 : index
    %swap3A_91 = arith.constant 0 : index
    %swap3A_92 = vector.load %arg10[%swap3A_89, %swap3A_90, %swap3A_91] : memref<2x1000x128xf32, #tpu.memory_space<vmem>>, vector<1x1000x128xf32>
    %swap3A_93 = vector.shape_cast %swap3A_92 : vector<1x1000x128xf32> to vector<1000x128xf32>
    %swap3A_94 = vector.shape_cast %slice3A_88 : vector<1000x128xf32> to vector<1x1000x128xf32>
    tpu.vector_store %arg10[%swap3A_89, %swap3A_90, %swap3A_91], %swap3A_94 {strides = array<i32>} : memref<2x1000x128xf32, #tpu.memory_space<vmem>>, vector<1x1000x128xf32>,
    %get3A_95 = arith.constant 1 : index
    %get3A_96 = arith.constant 0 : index
    %get3A_97 = arith.constant 0 : index
    %get3A_98 = vector.load %arg9[%get3A_95, %get3A_96, %get3A_97] : memref<2x256x256xf32, #tpu.memory_space<vmem>>, vector<1x256x256xf32>
    %get3A_99 = vector.shape_cast %get3A_98 : vector<1x256x256xf32> to vector<256x256xf32>
    %dot_general3A_100 = arith.constant dense<0.000000e+00> : vector<1000x256xf32>
    %dot_general3A_101 = tpu.matmul %max3A_75, %get3A_99, %dot_general3A_100 {dimension_numbers = #tpu.dot_dimension_numbers<[1], [0], [0], [1], [0, 0, 1, 1], [], []>, transpose_lhs_hint = false} : vector<1000x256xf32>, vector<256x256xf32>, vector<1000x256xf32> -> vector<1000x256xf32>
    %dot_general3A_102 = arith.constant dense<0.000000e+00> : vector<1000x256xf32>
    %dot_general3A_103 = tpu.matmul %add3A_58, %dot_general3A_27, %dot_general3A_102 {dimension_numbers = #tpu.dot_dimension_numbers<[1], [0], [0], [1], [0, 0, 1, 1], [], []>, transpose_lhs_hint = false} : vector<1000x8xf32>, vector<8x256xf32>, vector<1000x256xf32> -> vector<1000x256xf32>
    %add3A_104 = arith.addf %dot_general3A_101, %dot_general3A_103 : vector<1000x256xf32>
    %swap3A_105 = arith.constant 0 : index
    %swap3A_106 = arith.constant 0 : index
    %swap3A_107 = vector.load %arg11[%swap3A_105, %swap3A_106] : memref<1000x256xf32, #tpu.memory_space<vmem>>, vector<1000x256xf32>
    tpu.vector_store %arg11[%swap3A_105, %swap3A_106], %add3A_104 {strides = array<i32>} : memref<1000x256xf32, #tpu.memory_space<vmem>>, vector<1000x256xf32>,
    return
  }
  func.func @transform_0(%arg0: i32) -> (i32, i32, i32) {
    %c0_i32 = arith.constant 0 : i32
    %c0_i32_0 = arith.constant 0 : i32
    %c0_i32_1 = arith.constant 0 : i32
    return %arg0, %c0_i32, %c0_i32_0 : i32, i32, i32
  }
  func.func @transform_1(%arg0: i32) -> (i32, i32, i32) {
    %c0_i32 = arith.constant 0 : i32
    %c0_i32_0 = arith.constant 0 : i32
    %c0_i32_1 = arith.constant 0 : i32
    return %c0_i32, %arg0, %c0_i32_0 : i32, i32, i32
  }
  func.func @transform_2(%arg0: i32) -> (i32, i32, i32) {
    %c1_i32 = arith.constant 1 : i32
    %c0_i32 = arith.constant 0 : i32
    %c0_i32_0 = arith.constant 0 : i32
    return %c1_i32, %arg0, %c0_i32 : i32, i32, i32
  }
  func.func @transform_3(%arg0: i32) -> (i32, i32, i32) {
    %c0_i32 = arith.constant 0 : i32
    %c0_i32_0 = arith.constant 0 : i32
    %c0_i32_1 = arith.constant 0 : i32
    return %c0_i32, %arg0, %c0_i32_0 : i32, i32, i32
  }
  func.func @transform_4(%arg0: i32) -> (i32, i32, i32) {
    %c1_i32 = arith.constant 1 : i32
    %c0_i32 = arith.constant 0 : i32
    %c0_i32_0 = arith.constant 0 : i32
    return %c1_i32, %arg0, %c0_i32 : i32, i32, i32
  }
  func.func @transform_5(%arg0: i32) -> (i32, i32) {
    %c0_i32 = arith.constant 0 : i32
    %c0_i32_0 = arith.constant 0 : i32
    %c0_i32_1 = arith.constant 0 : i32
    return %c0_i32, %c0_i32_0 : i32, i32
  }
  func.func @transform_6(%arg0: i32) -> (i32, i32) {
    %c0_i32 = arith.constant 0 : i32
    %c0_i32_0 = arith.constant 0 : i32
    %c0_i32_1 = arith.constant 0 : i32
    return %c0_i32, %c0_i32_0 : i32, i32
  }
  func.func @transform_7(%arg0: i32) -> (i32, i32, i32) {
    %c0_i32 = arith.constant 0 : i32
    %c0_i32_0 = arith.constant 0 : i32
    %c0_i32_1 = arith.constant 0 : i32
    %c0_i32_2 = arith.constant 0 : i32
    return %c0_i32, %c0_i32_0, %c0_i32_1 : i32, i32, i32
  }
  func.func @transform_8(%arg0: i32) -> (i32, i32, i32) {
    %c0_i32 = arith.constant 0 : i32
    %c0_i32_0 = arith.constant 0 : i32
    %c0_i32_1 = arith.constant 0 : i32
    %c0_i32_2 = arith.constant 0 : i32
    return %c0_i32, %c0_i32_0, %c0_i32_1 : i32, i32, i32
  }
  func.func @transform_9(%arg0: i32) -> (i32, i32, i32) {
    %c0_i32 = arith.constant 0 : i32
    %c0_i32_0 = arith.constant 0 : i32
    %c0_i32_1 = arith.constant 0 : i32
    return %c0_i32, %arg0, %c0_i32_0 : i32, i32, i32
  }
  func.func @transform_10(%arg0: i32) -> (i32, i32) {
    %c0_i32 = arith.constant 0 : i32
    %c0_i32_0 = arith.constant 0 : i32
    return %arg0, %c0_i32 : i32, i32
  }
}

module attributes {stable_mosaic.version = 14 : i64} {
  func.func @_readout_body(%arg0: i32, %arg1: memref<1000x256xf32, #tpu.memory_space<vmem>>, %arg2: memref<1x1000x128xf32, #tpu.memory_space<vmem>>, %arg3: memref<1x1000x128xf32, #tpu.memory_space<vmem>>, %arg4: memref<1x1x1000xi32, #tpu.memory_space<vmem>>, %arg5: memref<1x64xi32, #tpu.memory_space<vmem>>, %arg6: memref<64x256xf32, #tpu.memory_space<vmem>>, %arg7: memref<64x256xf32, #tpu.memory_space<vmem>>, %arg8: memref<64x256xf32, #tpu.memory_space<vmem>>) attributes {dimension_semantics = [#tpu.dimension_semantics<arbitrary>], iteration_bounds = array<i64: 10>, scalar_prefetch = 0 : i64, scratch_operands = 0 : i64, tpu.core_type = #tpu.core_type<tc>, window_params = [{transform_indices = @transform_0, window_bounds = array<i64: 1000, 256>}, {transform_indices = @transform_1, window_bounds = array<i64: 1, 1000, 128>}, {transform_indices = @transform_2, window_bounds = array<i64: 1, 1000, 128>}, {transform_indices = @transform_3, window_bounds = array<i64: 1, 1, 1000>}, {pipeline_mode = #tpu.pipeline_mode<synchronous>, transform_indices = @transform_4, window_bounds = array<i64: 1, 64>}, {pipeline_mode = #tpu.pipeline_mode<synchronous>, transform_indices = @transform_5, window_bounds = array<i64: 64, 256>}, {pipeline_mode = #tpu.pipeline_mode<synchronous>, transform_indices = @transform_6, window_bounds = array<i64: 64, 256>}, {pipeline_mode = #tpu.pipeline_mode<synchronous>, transform_indices = @transform_7, window_bounds = array<i64: 64, 256>}]} {
    %get3A = arith.constant 0 : index
    %get3A_0 = arith.constant 0 : index
    %get3A_1 = arith.constant 0 : index
    %get3A_2 = vector.load %arg2[%get3A, %get3A_0, %get3A_1] : memref<1x1000x128xf32, #tpu.memory_space<vmem>>, vector<1x1000x128xf32>
    %get3A_3 = vector.shape_cast %get3A_2 : vector<1x1000x128xf32> to vector<1000x128xf32>
    %get3A_4 = arith.constant 0 : index
    %get3A_5 = arith.constant 0 : index
    %get3A_6 = arith.constant 0 : index
    %get3A_7 = vector.load %arg3[%get3A_4, %get3A_5, %get3A_6] : memref<1x1000x128xf32, #tpu.memory_space<vmem>>, vector<1x1000x128xf32>
    %get3A_8 = vector.shape_cast %get3A_7 : vector<1x1000x128xf32> to vector<1000x128xf32>
    %concatenate3A = tpu.concatenate %get3A_3, %get3A_8 in 1 : vector<1000x128xf32>, vector<1000x128xf32> -> vector<1000x256xf32>
    %get3A_9 = arith.constant 0 : index
    %get3A_10 = arith.constant 0 : index
    %get3A_11 = vector.load %arg1[%get3A_9, %get3A_10] : memref<1000x256xf32, #tpu.memory_space<vmem>>, vector<1000x256xf32>
    %add3A = arith.addf %get3A_11, %concatenate3A : vector<1000x256xf32>
    %max3A = arith.constant 0.000000e+00 : f32
    %max3A_12 = vector.broadcast %max3A : f32 to vector<1000x256xf32>
    %max3A_13 = arith.maximumf %add3A, %max3A_12 : vector<1000x256xf32>
    %get3A_14 = arith.constant 0 : index
    %get3A_15 = arith.constant 0 : index
    %get3A_16 = arith.constant 0 : index
    %get3A_17 = vector.load %arg4[%get3A_14, %get3A_15, %get3A_16] : memref<1x1x1000xi32, #tpu.memory_space<vmem>>, vector<1x1x1000xi32>
    %get3A_18 = vector.shape_cast %get3A_17 : vector<1x1x1000xi32> to vector<1000xi32>
    %broadcast_in_dim3A = vector.shape_cast %get3A_18 : vector<1000xi32> to vector<1x1000xi32>
    %iota3A = tpu.iota {dimensions = array<i32: 0>} : vector<64x1000xi32>
    %eq3A = vector.broadcast %broadcast_in_dim3A : vector<1x1000xi32> to vector<64x1000xi32>
    %eq3A_19 = arith.cmpi eq, %eq3A, %iota3A : vector<64x1000xi32>
    %convert_element_type3A = arith.extui %eq3A_19 : vector<64x1000xi1> to vector<64x1000xi32>
    %convert_element_type3A_20 = arith.sitofp %convert_element_type3A : vector<64x1000xi32> to vector<64x1000xf32>
    %mul3A = arith.constant 1000 : i32
    %mul3A_21 = arith.muli %arg0, %mul3A : i32
    %iota3A_22 = tpu.iota {dimensions = array<i32: 1>} : vector<64x1000xi32>
    %add3A_23 = vector.broadcast %mul3A_21 : i32 to vector<64x1000xi32>
    %add3A_24 = arith.addi %add3A_23, %iota3A_22 : vector<64x1000xi32>
    %get3A_25 = arith.constant 0 : index
    %get3A_26 = arith.constant 0 : index
    %get3A_27 = vector.load %arg5[%get3A_25, %get3A_26] : memref<1x64xi32, #tpu.memory_space<vmem>>, vector<1x64xi32>
    %get3A_28 = vector.shape_cast %get3A_27 : vector<1x64xi32> to vector<64xi32>
    %broadcast_in_dim3A_29 = vector.shape_cast %get3A_28 : vector<64xi32> to vector<64x1xi32>
    %eq3A_30 = vector.broadcast %broadcast_in_dim3A_29 : vector<64x1xi32> to vector<64x1000xi32>
    %eq3A_31 = arith.cmpi eq, %eq3A_30, %add3A_24 : vector<64x1000xi32>
    %convert_element_type3A_32 = arith.extui %eq3A_31 : vector<64x1000xi1> to vector<64x1000xi32>
    %convert_element_type3A_33 = arith.sitofp %convert_element_type3A_32 : vector<64x1000xi32> to vector<64x1000xf32>
    %dot_general3A = arith.constant dense<0.000000e+00> : vector<64x256xf32>
    %dot_general3A_34 = tpu.matmul %convert_element_type3A_20, %max3A_13, %dot_general3A {dimension_numbers = #tpu.dot_dimension_numbers<[1], [0], [0], [1], [0, 0, 1, 1], [], []>, transpose_lhs_hint = false} : vector<64x1000xf32>, vector<1000x256xf32>, vector<64x256xf32> -> vector<64x256xf32>
    %reduce_sum3A = arith.constant dense<0.000000e+00> : vector<64xf32>
    %reduce_sum3A_35 = vector.multi_reduction <add>, %convert_element_type3A_20, %reduce_sum3A [1] : vector<64x1000xf32> to vector<64xf32>
    %broadcast_in_dim3A_36 = vector.shape_cast %reduce_sum3A_35 : vector<64xf32> to vector<64x1xf32>
    %broadcast_in_dim3A_37 = vector.shape_cast %broadcast_in_dim3A_36 : vector<64x1xf32> to vector<64x1xf32>
    %broadcast_in_dim3A_38 = vector.broadcast %broadcast_in_dim3A_37 : vector<64x1xf32> to vector<64x256xf32>
    %dot_general3A_39 = arith.constant dense<0.000000e+00> : vector<64x256xf32>
    %dot_general3A_40 = tpu.matmul %convert_element_type3A_33, %max3A_13, %dot_general3A_39 {dimension_numbers = #tpu.dot_dimension_numbers<[1], [0], [0], [1], [0, 0, 1, 1], [], []>, transpose_lhs_hint = false} : vector<64x1000xf32>, vector<1000x256xf32>, vector<64x256xf32> -> vector<64x256xf32>
    %eq3A_41 = arith.constant 0 : i32
    %eq3A_42 = arith.cmpi eq, %arg0, %eq3A_41 : i32
    %convert_element_type3A_43 = arith.extui %eq3A_42 : i1 to i32
    %cond3A = arith.constant 0 : i32
    %cond3A_44 = arith.cmpi ne, %convert_element_type3A_43, %cond3A : i32
    scf.if %cond3A_44 {
      %swap3A = arith.constant 0 : index
      %swap3A_49 = arith.constant 0 : index
      %swap3A_50 = vector.load %arg6[%swap3A, %swap3A_49] : memref<64x256xf32, #tpu.memory_space<vmem>>, vector<64x256xf32>
      tpu.vector_store %arg6[%swap3A, %swap3A_49], %dot_general3A_34 {strides = array<i32>} : memref<64x256xf32, #tpu.memory_space<vmem>>, vector<64x256xf32>,
      %swap3A_51 = arith.constant 0 : index
      %swap3A_52 = arith.constant 0 : index
      %swap3A_53 = vector.load %arg7[%swap3A_51, %swap3A_52] : memref<64x256xf32, #tpu.memory_space<vmem>>, vector<64x256xf32>
      tpu.vector_store %arg7[%swap3A_51, %swap3A_52], %broadcast_in_dim3A_38 {strides = array<i32>} : memref<64x256xf32, #tpu.memory_space<vmem>>, vector<64x256xf32>,
      %swap3A_54 = arith.constant 0 : index
      %swap3A_55 = arith.constant 0 : index
      %swap3A_56 = vector.load %arg8[%swap3A_54, %swap3A_55] : memref<64x256xf32, #tpu.memory_space<vmem>>, vector<64x256xf32>
      tpu.vector_store %arg8[%swap3A_54, %swap3A_55], %dot_general3A_40 {strides = array<i32>} : memref<64x256xf32, #tpu.memory_space<vmem>>, vector<64x256xf32>,
    } else {
    }
    %gt3A = arith.constant 0 : i32
    %gt3A_45 = arith.cmpi sgt, %arg0, %gt3A : i32
    %convert_element_type3A_46 = arith.extui %gt3A_45 : i1 to i32
    %cond3A_47 = arith.constant 0 : i32
    %cond3A_48 = arith.cmpi ne, %convert_element_type3A_46, %cond3A_47 : i32
    scf.if %cond3A_48 {
      %get3A_49 = arith.constant 0 : index
      %get3A_50 = arith.constant 0 : index
      %get3A_51 = vector.load %arg6[%get3A_49, %get3A_50] : memref<64x256xf32, #tpu.memory_space<vmem>>, vector<64x256xf32>
      %add3A_52 = arith.addf %get3A_51, %dot_general3A_34 : vector<64x256xf32>
      %swap3A = arith.constant 0 : index
      %swap3A_53 = arith.constant 0 : index
      %swap3A_54 = vector.load %arg6[%swap3A, %swap3A_53] : memref<64x256xf32, #tpu.memory_space<vmem>>, vector<64x256xf32>
      tpu.vector_store %arg6[%swap3A, %swap3A_53], %add3A_52 {strides = array<i32>} : memref<64x256xf32, #tpu.memory_space<vmem>>, vector<64x256xf32>,
      %get3A_55 = arith.constant 0 : index
      %get3A_56 = arith.constant 0 : index
      %get3A_57 = vector.load %arg7[%get3A_55, %get3A_56] : memref<64x256xf32, #tpu.memory_space<vmem>>, vector<64x256xf32>
      %add3A_58 = arith.addf %get3A_57, %broadcast_in_dim3A_38 : vector<64x256xf32>
      %swap3A_59 = arith.constant 0 : index
      %swap3A_60 = arith.constant 0 : index
      %swap3A_61 = vector.load %arg7[%swap3A_59, %swap3A_60] : memref<64x256xf32, #tpu.memory_space<vmem>>, vector<64x256xf32>
      tpu.vector_store %arg7[%swap3A_59, %swap3A_60], %add3A_58 {strides = array<i32>} : memref<64x256xf32, #tpu.memory_space<vmem>>, vector<64x256xf32>,
      %get3A_62 = arith.constant 0 : index
      %get3A_63 = arith.constant 0 : index
      %get3A_64 = vector.load %arg8[%get3A_62, %get3A_63] : memref<64x256xf32, #tpu.memory_space<vmem>>, vector<64x256xf32>
      %add3A_65 = arith.addf %get3A_64, %dot_general3A_40 : vector<64x256xf32>
      %swap3A_66 = arith.constant 0 : index
      %swap3A_67 = arith.constant 0 : index
      %swap3A_68 = vector.load %arg8[%swap3A_66, %swap3A_67] : memref<64x256xf32, #tpu.memory_space<vmem>>, vector<64x256xf32>
      tpu.vector_store %arg8[%swap3A_66, %swap3A_67], %add3A_65 {strides = array<i32>} : memref<64x256xf32, #tpu.memory_space<vmem>>, vector<64x256xf32>,
    } else {
    }
    return
  }
  func.func @transform_0(%arg0: i32) -> (i32, i32) {
    %c0_i32 = arith.constant 0 : i32
    %c0_i32_0 = arith.constant 0 : i32
    return %arg0, %c0_i32 : i32, i32
  }
  func.func @transform_1(%arg0: i32) -> (i32, i32, i32) {
    %c0_i32 = arith.constant 0 : i32
    %c0_i32_0 = arith.constant 0 : i32
    %c0_i32_1 = arith.constant 0 : i32
    return %c0_i32, %arg0, %c0_i32_0 : i32, i32, i32
  }
  func.func @transform_2(%arg0: i32) -> (i32, i32, i32) {
    %c1_i32 = arith.constant 1 : i32
    %c0_i32 = arith.constant 0 : i32
    %c0_i32_0 = arith.constant 0 : i32
    return %c1_i32, %arg0, %c0_i32 : i32, i32, i32
  }
  func.func @transform_3(%arg0: i32) -> (i32, i32, i32) {
    %c0_i32 = arith.constant 0 : i32
    %c0_i32_0 = arith.constant 0 : i32
    %c0_i32_1 = arith.constant 0 : i32
    return %arg0, %c0_i32, %c0_i32_0 : i32, i32, i32
  }
  func.func @transform_4(%arg0: i32) -> (i32, i32) {
    %c0_i32 = arith.constant 0 : i32
    %c0_i32_0 = arith.constant 0 : i32
    %c0_i32_1 = arith.constant 0 : i32
    return %c0_i32, %c0_i32_0 : i32, i32
  }
  func.func @transform_5(%arg0: i32) -> (i32, i32) {
    %c0_i32 = arith.constant 0 : i32
    %c0_i32_0 = arith.constant 0 : i32
    %c0_i32_1 = arith.constant 0 : i32
    return %c0_i32, %c0_i32_0 : i32, i32
  }
  func.func @transform_6(%arg0: i32) -> (i32, i32) {
    %c0_i32 = arith.constant 0 : i32
    %c0_i32_0 = arith.constant 0 : i32
    %c0_i32_1 = arith.constant 0 : i32
    return %c0_i32, %c0_i32_0 : i32, i32
  }
  func.func @transform_7(%arg0: i32) -> (i32, i32) {
    %c0_i32 = arith.constant 0 : i32
    %c0_i32_0 = arith.constant 0 : i32
    %c0_i32_1 = arith.constant 0 : i32
    return %c0_i32, %c0_i32_0 : i32, i32
  }
}

module attributes {stable_mosaic.version = 14 : i64} {
  func.func @_head_body(%arg0: memref<64x256xf32, #tpu.memory_space<vmem>>, %arg1: memref<64x256xf32, #tpu.memory_space<vmem>>, %arg2: memref<64x256xf32, #tpu.memory_space<vmem>>, %arg3: memref<256x256xf32, #tpu.memory_space<vmem>>, %arg4: memref<64x512xf32, #tpu.memory_space<vmem>>) attributes {dimension_semantics = [], scalar_prefetch = 0 : i64, scratch_operands = 0 : i64, tpu.core_type = #tpu.core_type<tc>} {
    %get3A = arith.constant 0 : index
    %get3A_0 = arith.constant 0 : index
    %get3A_1 = vector.load %arg0[%get3A, %get3A_0] : memref<64x256xf32, #tpu.memory_space<vmem>>, vector<64x256xf32>
    %get3A_2 = arith.constant 0 : index
    %get3A_3 = arith.constant 0 : index
    %get3A_4 = vector.load %arg1[%get3A_2, %get3A_3] : memref<64x256xf32, #tpu.memory_space<vmem>>, vector<64x256xf32>
    %max3A = arith.constant 1.000000e+00 : f32
    %max3A_5 = vector.broadcast %max3A : f32 to vector<64x256xf32>
    %max3A_6 = arith.maximumf %get3A_4, %max3A_5 : vector<64x256xf32>
    %div3A = arith.divf %get3A_1, %max3A_6 : vector<64x256xf32>
    %get3A_7 = arith.constant 0 : index
    %get3A_8 = arith.constant 0 : index
    %get3A_9 = vector.load %arg3[%get3A_7, %get3A_8] : memref<256x256xf32, #tpu.memory_space<vmem>>, vector<256x256xf32>
    %dot_general3A = arith.constant dense<0.000000e+00> : vector<64x256xf32>
    %dot_general3A_10 = tpu.matmul %div3A, %get3A_9, %dot_general3A {dimension_numbers = #tpu.dot_dimension_numbers<[1], [0], [0], [1], [0, 0, 1, 1], [], []>, transpose_lhs_hint = false} : vector<64x256xf32>, vector<256x256xf32>, vector<64x256xf32> -> vector<64x256xf32>
    %tanh3A = math.tanh %dot_general3A_10 : vector<64x256xf32>
    %get3A_11 = arith.constant 0 : index
    %get3A_12 = arith.constant 0 : index
    %get3A_13 = vector.load %arg2[%get3A_11, %get3A_12] : memref<64x256xf32, #tpu.memory_space<vmem>>, vector<64x256xf32>
    %concatenate3A = tpu.concatenate %tanh3A, %get3A_13 in 1 : vector<64x256xf32>, vector<64x256xf32> -> vector<64x512xf32>
    %swap3A = arith.constant 0 : index
    %swap3A_14 = arith.constant 0 : index
    %swap3A_15 = vector.load %arg4[%swap3A, %swap3A_14] : memref<64x512xf32, #tpu.memory_space<vmem>>, vector<64x512xf32>
    tpu.vector_store %arg4[%swap3A, %swap3A_14], %concatenate3A {strides = array<i32>} : memref<64x512xf32, #tpu.memory_space<vmem>>, vector<64x512xf32>,
    return
  }
}

</mosaic_0001>

<sc_bundles>
// kernel: kernel.10.cloned.1.call-start
scs
__scs_entry_jumppad:
0x0: {  	(pc) =	sbr.rel $0x88, $3  }
0x1: {  	(tag) =	ssettag $0x0;
	lr =	simm.s32 $0x1  }
0x2: {  	[smem:$0x3F97] =	sst lr;
	_ =	strace $0xD0000000  }
0x3: {  	_ = 	snop  }
0x4: {  	_ = 	snop  }
0x5: {  	_ = 	snop  }
0x6: {  	_ = 	snop  }
0x7: {  	_ = 	snop  }
__scs_overlays_trampoline_lowered:
0x8: {  	[smem:$0x3FA6] =	sst s0  }
0x9: {  	[smem:$0x3FA7] =	sst s1  }
0xa: {  	[smem:$0x3FA8] =	sst s2  }
0xb: {  	[smem:$0x3FA9] =	sst s3  }
0xc: {  	[smem:$0x3FAA] =	sst s4  }
0xd: {  	[smem:$0x3FAB] =	sst s5  }
0xe: {  	[smem:$0x3FAC] =	sst s6  }
0xf: {  	[smem:$0x3FAD] =	sst s7  }
0x10: {  	[smem:$0x3FAE] =	sst s8  }
0x11: {  	[smem:$0x3FAF] =	sst s9;
	s0 =	simm.s32 @!p0 $0x0  }
0x12: {  	s1 =	sld [smem:$0x3F95];
	s0 =	simm.s32 @p0 $0x1  }
0x13: {  	[smem:$0x3FB0] =	sst s0;
	s0 =	simm.s32 @!p1 $0x0  }
0x14: {  	s2 =	sld [smem:$0x3F94];
	s0 =	simm.s32 @p1 $0x1  }
0x15: {  	[smem:$0x3FB1] =	sst s0;
	s0 =	simm.s32 @!p2 $0x0  }
0x16: {  	s3 =	sld [smem:$0x3FDB];
	s0 =	simm.s32 @p2 $0x1  }
0x17: {  	s4 =	simm.s32 $0x1BF5;
	[smem:$0x3FB3] =	sst s0  }
0x18: {  	s0 =	sld [smem:$0x3F96];
	_ =	swait.ge [sflag:s4], $0x0  }
0x19: {  	s7 =	sld [smem:$0x3F97]  }
0x1a: {  	s8 =	sadd.s32 $0xFFFFE003, lr  }
0x1b: {  	s9 =	sadd.s32 $0xFFFFFEF7, lr;
	s5 =	simm.s32 $0xFFFFFFFF;
	p2 =	slt.u32 s8, $0xFFFFF086  }
0x1c: {  	p1 =	slt.u32 s9, $0xF7A;
	s5 =	simm.s32 @!p2 $0x0  }
0x1d: {  	s5 =	simm.s32 @p1 $0x1;
	p0 =	seq.s32 s7, s2  }
0x1e: {  	s7 =	smul.u32 @!p0 $0xF7A, s2;
	p2 =	seq.s32 @!p0 s5, $0x0  }
0x1f: {  	s9 =	smul.u32 $0xF7A, s1;
	s8 =	simm.s32 @!p0 $0x1BF5;
	p2 =	por !p2, p0  }
0x20: {  	[sflag:s8] =	ssyncset.s32 @!p0 $0xFFFFF086;
	s6 =	sadd.s32 @!p0 s3, s7;
	s7 =	simm.s32 @!p0 $0x108  }
0x21: {  	s3 =	sadd.s32 s3, s9;
	s6 =	sadd.s32 @!p0 $0x88, s6;
	s7 =	simm.s32 @p2 $0x1082  }
0x22: {  	[simem:s7], [sflag:s8] =	dma.local @!p0 [hbm:s6], $0xF7A  }
0x23: {  	s9 =	sor.u32 $0xD0000000, s2;
	s6 =	simm.s32 $0x108;
	_ =	swait.ge @!p0 [sflag:s8], $0x0  }
0x24: {  	s3 =	sadd.s32 $0x88, s3;
	s6 =	simm.s32 @!p1 $0x1082;
	[sflag:s4] =	ssyncset.s32 $0xFFFFF086  }
0x25: {  	[simem:s6], [sflag:s4] =	dma.local [hbm:s3], $0xF7A  }
0x26: {  	[smem:$0x3F97] =	sst s1;
	(tag) =	ssettag s2;
	_ =	strace s9  }
0x27: {  	s1 =	sld [smem:$0x3FA7]  }
0x28: {  	s2 =	sld [smem:$0x3FA8]  }
0x29: {  	s4 =	sld [smem:$0x3FAA]  }
0x2a: {  	p0 =	seq.s32 s5, $0x0;
	s5 =	sld [smem:$0x3FAB]  }
0x2b: {  	s6 =	sld [smem:$0x3FAC]  }
0x2c: {  	s7 =	sld [smem:$0x3FAD]  }
0x2d: {  	s3 =	simm.s32 $0x108;
	s8 =	sld [smem:$0x3FAE]  }
0x2e: {  	s3 =	simm.s32 @!p0 $0x1082;
	s9 =	sld [smem:$0x3FAF]  }
0x2f: {  	lr =	sadd.s32 s0, s3;
	s0 =	sld [smem:$0x3FA6]  }
0x30: {  	s3 =	sld [smem:$0x3FA9]  }
0x31: {  	[smem:$0x3FB2] =	sst s10  }
0x32: {  	s10 =	sld [smem:$0x3FB0];
	_ =	sdelay $0x3  }
0x33: {  	p0 =	seq.s32 s10, $0x1;
	s10 =	sld [smem:$0x3FB2];
	_ =	sdelay $0x3  }
0x34: {  	[smem:$0x3FB2] =	sst s10  }
0x35: {  	s10 =	sld [smem:$0x3FB1];
	_ =	sdelay $0x3  }
0x36: {  	p1 =	seq.s32 s10, $0x1;
	s10 =	sld [smem:$0x3FB2];
	_ =	sdelay $0x3  }
0x37: {  	[smem:$0x3FB2] =	sst s10  }
0x38: {  	s10 =	sld [smem:$0x3FB3]  }
0x39: {  	_ = 	snop;
	(pc) =	sbr.ind lr, $3  }
0x3a: {  	_ = 	snop  }
0x3b: {  	_ = 	snop  }
0x3c: {  	p2 =	seq.s32 s10, $0x1;
	s10 =	sld [smem:$0x3FB2]  }
0x3d: {  	_ =	shalt  }
0x3e: {  	_ =	shalt  }
0x3f: {  	_ =	shalt  }
0x40: {  	_ =	shalt  }
0x41: {  	_ =	shalt  }
0x42: {  	_ =	shalt  }
0x43: {  	_ =	shalt  }
0x44: {  	_ =	shalt  }
0x45: {  	_ =	shalt  }
0x46: {  	_ =	shalt  }
0x47: {  	_ =	shalt  }
0x48: {  	_ =	shalt  }
0x49: {  	_ =	shalt  }
0x4a: {  	_ =	shalt  }
0x4b: {  	_ =	shalt  }
0x4c: {  	_ =	shalt  }
0x4d: {  	_ =	shalt  }
0x4e: {  	_ =	shalt  }
0x4f: {  	_ =	shalt  }
0x50: {  	_ =	shalt  }
0x51: {  	_ =	shalt  }
0x52: {  	_ =	shalt  }
0x53: {  	_ =	shalt  }
0x54: {  	_ =	shalt  }
0x55: {  	_ =	shalt  }
0x56: {  	_ =	shalt  }
0x57: {  	_ =	shalt  }
0x58: {  	_ =	shalt  }
0x59: {  	_ =	shalt  }
0x5a: {  	_ =	shalt  }
0x5b: {  	_ =	shalt  }
0x5c: {  	_ =	shalt  }
0x5d: {  	_ =	shalt  }
0x5e: {  	_ =	shalt  }
0x5f: {  	_ =	shalt  }
0x60: {  	_ =	shalt  }
0x61: {  	_ =	shalt  }
0x62: {  	_ =	shalt  }
0x63: {  	_ =	shalt  }
0x64: {  	_ =	shalt  }
0x65: {  	_ =	shalt  }
0x66: {  	_ =	shalt  }
0x67: {  	_ =	shalt  }
0x68: {  	_ =	shalt  }
0x69: {  	_ =	shalt  }
0x6a: {  	_ =	shalt  }
0x6b: {  	_ =	shalt  }
0x6c: {  	_ =	shalt  }
0x6d: {  	_ =	shalt  }
0x6e: {  	_ =	shalt  }
0x6f: {  	_ =	shalt  }
0x70: {  	_ =	shalt  }
0x71: {  	_ =	shalt  }
0x72: {  	_ =	shalt  }
0x73: {  	_ =	shalt  }
0x74: {  	_ =	shalt  }
0x75: {  	_ =	shalt  }
0x76: {  	_ =	shalt  }
0x77: {  	_ =	shalt  }
0x78: {  	_ =	shalt  }
0x79: {  	_ =	shalt  }
0x7a: {  	_ =	shalt  }
0x7b: {  	_ =	shalt  }
0x7c: {  	_ =	shalt  }
0x7d: {  	_ =	shalt  }
0x7e: {  	_ =	shalt  }
0x7f: {  	_ =	shalt  }
0x80: {  	_ =	shalt  }
0x81: {  	_ =	shalt  }
0x82: {  	_ =	shalt  }
0x83: {  	_ =	shalt  }
0x84: {  	_ =	shalt  }
0x85: {  	_ =	shalt  }
0x86: {  	_ =	shalt  }
0x87: {  	_ =	shalt  }
.Lfunc_end0:
.L_simem_size_0:
called_computation.1_lowered:
.L_overlay_start_0:
0x88: {  	s2 =	sld [smem:$0x3FD9]  }
0x89: {  	s3 =	sld [smem:$0x3FFE];
	_ =	sdelay $0x1  }
0x8a: {  	s1 =	srdreg.scid  }
0x8b: {  	s0 =	sand.u32 $0x1, s1  }
0x8c: {  	s16 =	sshll.u32 s0, $0xA;
	s2 =	sadd.s32 s3, s2  }
0x8d: {  	s2 =	sadd.s32 s2, s16  }
0x8e: {  	[smem:$0x3FBE] =	sst s2  }
0x8f: {  	_ = 	snop  }
0x90: {  	(tm) =	ssettm $0x1  }
0x91: {  	s17 =	sld [smem:$0x3FFB];
	_ =	sdelay $0x3  }
0x92: {  	_ =	strace s17  }
0x93: {  	s2 =	sld [smem:$0x3FFC];
	_ =	sdelay $0x3  }
0x94: {  	_ =	strace s2  }
0x95: {  	s2 =	sld [smem:$0x3FFD];
	_ =	sdelay $0x3  }
0x96: {  	_ =	strace s2  }
0x97: {  	_ =	strace $0x8FFFFFFF  }
0x98: {  	s18 =	sld [smem:$0x3FDB];
	_ =	sdelay $0x1  }
0x99: {  	s19 =	simm.s32 $_scs_section_size  }
0x9a: {  	s4 =	simm.s32 $_size__tile_overlayer_lowered;
	s5 =	simm.s32 $_tile_overlayer_lowered  }
0x9b: {  	s22 =	simm.s32 $0x1BFF;
	s21 =	sshll.u32 s5, $0x1;
	s2 =	sadd.s32 s19, s18  }
0x9c: {  	s6 =	simm.s32 $0x0;
	s20 =	sshll.u32 s4, $0x1;
	s4 =	sadd.s32 s21, s2  }
0x9d: {  	[timem:s6], [sflag:s22] =	dma.local [hbm:s4], s20  }
0x9e: {  	_ =	swait.ge [sflag:s22], s20  }
0x9f: {  	s3 =	ssub.s32 $0x0, s20;
	[sflag:s22] =	ssyncset.done $0x0  }
0xa0: {  	[sflag:s22] =	ssyncadd.s32 s3;
	_ =	sdelay $0x1  }
0xa1: {  	s23 =	simm.s32 $0x1B8B  }
0xa2: {  	_ =	swait.ge [sflag:s23], $0x1  }
0xa3: {  	[sflag:s23] =	ssyncset.done $0x0  }
0xa4: {  	s25 =	simm.s32 $0x1B8E;
	s24 =	sld [smem:$0x3FFE];
	[sflag:s23] =	ssyncadd.s32 $0xFFFFFFFF  }
0xa5: {  	s26 =	simm.s32 $execute0_lowered;
	[smem:$0x3FD2] =	sst s25  }
0xa6: {  	s4 =	sshll.u32 s26, $0x1;
	_ =	strace $0x80000049;
	[dreg:$0x1] =	wrdreg $0xFFFFFFFF  }
0xa7: {  	s28 =	simm.s32 $_size_execute0_lowered;
	s2 =	sadd.s32 s2, s4;
	[dreg:$0x0] =	wrdreg $0x0  }
0xa8: {  	s4 =	sshll.u32 s28, $0x1;
	[dreg:$0x2] =	wrdreg s2  }
0xa9: {  	[dreg:$0x3] =	wrdreg s4  }
0xaa: {  	[dreg:$0x4] =	wrdreg $0xC0  }
0xab: {  	_ =	task [dreg:s6], $0x5FFFF  }
0xac: {  	[dreg:$0x1] =	wrdreg $0xFFFFFFFF  }
0xad: {  	[dreg:$0x0] =	wrdreg $0x60  }
0xae: {  	[dreg:$0x2] =	wrdreg s24  }
0xaf: {  	[dreg:$0x3] =	wrdreg $0xBC000  }
0xb0: {  	[dreg:$0x4] =	wrdreg $0x9  }
0xb1: {  	_ =	task.clear_ibuf [dreg:s6], $0x5FFFF;
	_ =	strace $0x90000049  }
0xb2: {  	s29 =	simm.s32 $0x9;
	_ =	strace $0x8000004B  }
0xb3: {  	_ =	swait.ge [sflag:s29], $0x1  }
0xb4: {  	[sflag:s29] =	ssyncadd.s32 $0xFFFFFFFF  }
0xb5: {  	_ =	strace $0x9000004B  }
0xb6: {  	_ =	sfence  }
0xb7: {  	s30 =	sld [smem:$0x0];
	_ =	sdelay $0x2  }
0xb8: {  	s31 =	sshll.u32 s1, $0xD;
	s1 =	sshrl.u32 s1, $0x2  }
0xb9: {  	s3 =	sand.u32 $0x4000, s31;
	s1 =	sadd.s32 s1, s30  }
0xba: {  	s0 =	sor.u32 s3, s0;
	s1 =	sshll.u32 s1, $0x11  }
0xbb: {  	s0 =	sor.u32 s1, s0  }
0xbc: {  	s0 =	sadd.s32 $0x8F2B, s0  }
0xbd: {  	[sflag:s0] =	ssyncadd.remote.s32 $0x1  }
0xbe: {  	_ =	sfence.sel $0xFFFF  }
0xbf: {  	[dreg:$0x0] =	wrdreg $0xFFFFFFFF;
	(pc) =	sbr.abs _section_cstart, $3  }
0xc0: {  	[dreg:$0x1] =	wrdreg $0xFFFFFFFF  }
0xc1: {  	_ =	task.clear_ibuf [dreg:s6], $0x2FFFF;
	_ =	strace $0x9FFFFFFF  }
0xc2: {  	(tm) =	ssettm $0x7FFFFFFF  }
0xc3: {  	_ =	shalt  }
tec
execute0_lowered:
.L_overlay_start_1:
0x0: {  	(tag) =	ssettag $0x1  }
0x1: {  	s5 =	rddreg [dreg:$0x0];
	s1 =	srdreg.scid  }
0x2: {  	s0 =	stileid.u32;
	s2 =	rddreg [dreg:$0x1];
	s3 =	simm.s32 $0x0  }
0x3: {  	s14 =	simm.s32 $0x3C00;
	s15 =	simm.s32 $0x80;
	s16 =	simm.s32 $0x1  }
0x4: {  	s17 =	simm.s32 $0x2780;
	s18 =	simm.s32 $0x7C00;
	s19 =	simm.s32 $0x3B80  }
0x5: {  	s6 =	sand.u32 $0x1, s1;
	s7 =	smul.u32 $0x2800, s0;
	s1 =	rddreg [dreg:$0x2]  }
0x6: {  	s20 =	simm.s32 $0x0;
	[smem:$0x7FF] =	sst s3;
	s9 =	smul.u32 $0x280, s0  }
0x7: {  	s4 =	sadd.s32 $0x5AE00, s5;
	s31 =	sshll.u32 s0, $0x6;
	s8 =	smul.u32 $0x28000, s6  }
0x8: {  	_ =	strace $0x8000004A;
	s10 =	smul.u32 $0x138800, s6;
	s6 =	ssub.s32 $0x2, s6  }
0x9: {  	s9 =	smin.u32 s9, $0x2490;
	s12 =	sshrl.u32 s6, $0x1;
	s8 =	sadd.s32 s7, s8  }
0xa: {  	s7 =	sshrl.u32 s7, $0x3;
	s30 =	sshll.u32 s9, $0x7;
	s9 =	sshll.u32 s9, $0x4  }
0xb: {  	s12 =	ssub.s32 s6, s12;
	s6 =	sor.u32 $0x1C02, s31;
	s8 =	sshrl.u32 s8, $0x3  }
0xc: {  	s7 =	sadd.s32 s7, s5;
	s10 =	sadd.s32 s10, s30;
	s9 =	sadd.s32 s9, s5  }
0xd: {  	s13 =	sadd.s32 s30, s2;
	s11 =	sadd.s32 s8, s5;
	s10 =	sshrl.u32 s10, $0x3  }
0xe: {  	s7 =	sadd.s32 $0xC200, s7;
	s10 =	sadd.s32 s10, s5;
	s5 =	sadd.s32 $0x11200, s9  }
0xf: {  	s8 =	sadd.s32 $0x50E00, s11;
	s9 =	sadd.s32 $0x51080, s11;
	s11 =	smax.u32 s12, $0x1  }
0x10: {  	s12 =	sshrl.u32 s13, $0x3;
	s13 =	simm.s32 $0x2;
	s10 =	sadd.s32 $0xA9000, s10  }
.LBB2_1:
0x11: {  	[spmem:s12], [sflag:s6] =	dma.local [hbm:s5], $0x2800  }
0x12: {  	_ =	swait.ge [sflag:s13], $0x2800  }
0x13: {  	[sflag:s13] =	ssyncset.done $0x0  }
0x14: {  	s22 =	simm.s32 $0x1400;
	[sflag:s13] =	ssyncadd.s32 $0xFFFFD800  }
0x15: {  	[tilespmem:s22], [sflag:$0x2] =	stream.linear.gather [hbm4b:s7+s3], $0x2800, $0x38;
	[tilespmem:$0x1F680] =	vst v63  }
0x16: {  	_ =	swait.ge [sflag:s13], $0x2800  }
0x17: {  	[sflag:s13] =	ssyncset.done $0x0  }
0x18: {  	[sflag:s13] =	ssyncadd.s32 $0xFFFFD800  }
0x19: {  	[bflag:$0x0] =	sbarrier.arrive $0xFFFF  }
0x1a: {  	[tilespmem:s3], [sflag:$0x2] =	stream.linear.gather [hbm4b:s8+s3], $0x1400, $0x38;
	[tilespmem:$0x1F680] =	vst v63  }
0x1b: {  	s21 =	simm.s32 $0x10000;
	_ =	swait.ge [sflag:s13], $0x1400  }
0x1c: {  	s21 =	sand.u32 $0x10000, s21;
	[sflag:s13] =	ssyncset.done $0x0  }
0x1d: {  	s21 =	sshrl.u32 s21, $0x2;
	[sflag:s13] =	ssyncadd.s32 $0xFFFFEC00  }
0x1e: {  	[tilespmem:s14], [sflag:$0x1] =	stream.indirect.gather [hbm4b:s4+s15], $0x80, s3, s15, $0xb8;
	[tilespmem:$0x1F680] =	vst v63  }
0x1f: {  	s23 =	simm.s32 $0x0;
	s21 =	sor.u32 $0x3C00, s21  }
0x20: {  	[tilespmem:s21], [sflag:$0x1] =	stream.indirect.gather [hbm4b:s4+s15], $0x80, s15, s15, $0xb8;
	[tilespmem:$0x1F680] =	vst v63  }
0x21: {  	s23 =	sand.u32 $0x10000, s23;
	_ =	swait.ge [sflag:s16], $0x4000  }
0x22: {  	s23 =	sshrl.u32 s23, $0x2;
	s21 =	simm.s32 $0x20000;
	[sflag:s16] =	ssyncset.done $0x0  }
0x23: {  	s23 =	sor.u32 $0x3C00, s23;
	s31 =	sand.u32 $0x10000, s21;
	[sflag:s16] =	ssyncadd.s32 $0xFFFFC000  }
0x24: {  	[spmem:s2] =	stream.indirect.scatter.add.f32 [tilespmem:s23], [sflag:$0x2], $0x80, s22, s15, $0xb8;
	[tilespmem:$0x1F680] =	vst v63  }
0x25: {  	s24 =	simm.s32 $0x30000;
	s25 =	sshrl.u32 s31, $0x2;
	_ =	swait.ge [sflag:s13], $0x4000  }
0x26: {  	s23 =	simm.s32 $0x100;
	s22 =	simm.s32 $0x1480;
	[sflag:s13] =	ssyncset.done $0x0  }
.LBB2_2:
0x27: {  	s25 =	sor.u32 $0x3C00, s25;
	s26 =	sadd.s32 $0xFFFF0000, s21  }
0x28: {  	[sflag:s13] =	ssyncadd.s32 $0xFFFFC000;
	s21 =	smov.u32 s24;
	s28 =	sadd.s32 $0x10000, s24  }
0x29: {  	[tilespmem:s25], [sflag:$0x1] =	stream.indirect.gather [hbm4b:s4+s15], $0x80, s23, s15, $0xb8;
	[tilespmem:$0x1F680] =	vst v63  }
0x2a: {  	p0 =	sne.s32 s24, $0x270000;
	s25 =	sand.u32 $0x10000, s26;
	_ =	swait.ge [sflag:s16], $0x4000  }
.Ltmp0:
0x2b: {  	s25 =	sshrl.u32 s25, $0x2;
	[sflag:s16] =	ssyncset.done $0x0;
	(pc) =	sbr.rel @p0 .LBB2_2-.Ltmp0, $4  }
0x2c: {  	s23 =	sadd.s32 $0x80, s23;
	s24 =	sor.u32 $0x3C00, s25;
	[sflag:s16] =	ssyncadd.s32 $0xFFFFC000  }
0x2d: {  	[spmem:s2] =	stream.indirect.scatter.add.f32 [tilespmem:s24], [sflag:$0x2], $0x80, s22, s15, $0xb8;
	[tilespmem:$0x1F680] =	vst v63  }
0x2e: {  	s24 =	sand.u32 $0x10000, s21;
	s22 =	sadd.s32 $0x80, s22;
	_ =	swait.ge [sflag:s13], $0x4000  }
0x2f: {  	s25 =	sshrl.u32 s24, $0x2;
	s24 =	smov.u32 s28;
	[sflag:s13] =	ssyncset.done $0x0  }
0x30: {  	s24 =	sor.u32 $0x3C00, s25;
	s21 =	sadd.s32 $0xFFFF0000, s21;
	[sflag:s13] =	ssyncadd.s32 $0xFFFFC000  }
0x31: {  	[tilespmem:s24], [sflag:$0x1] =	stream.indirect.gather [hbm4b:s4+s15], $0x80, s23, s15, $0xb8;
	[tilespmem:$0x1F680] =	vst v63  }
0x32: {  	s21 =	sand.u32 $0x10000, s21;
	_ =	swait.ge [sflag:s16], $0x4000  }
0x33: {  	s21 =	sshrl.u32 s21, $0x2;
	[sflag:s16] =	ssyncset.done $0x0  }
0x34: {  	s21 =	sor.u32 $0x3C00, s21;
	[sflag:s16] =	ssyncadd.s32 $0xFFFFC000  }
0x35: {  	[spmem:s2] =	stream.indirect.scatter.add.f32 [tilespmem:s21], [sflag:$0x2], $0x80, s22, s15, $0xb8;
	[tilespmem:$0x1F680] =	vst v63  }
0x36: {  	_ =	swait.ge [sflag:s13], $0x4000  }
0x37: {  	[sflag:s13] =	ssyncset.done $0x0  }
0x38: {  	[sflag:s13] =	ssyncadd.s32 $0xFFFFC000  }
0x39: {  	_ =	swait.ge [sflag:s16], $0x4000  }
0x3a: {  	[sflag:s16] =	ssyncset.done $0x0  }
0x3b: {  	s26 =	simm.s32 $0x80;
	[sflag:s16] =	ssyncadd.s32 $0xFFFFC000  }
0x3c: {  	[spmem:s2] =	stream.indirect.scatter.add.f32 [tilespmem:s18], [sflag:$0x2], $0x80, s17, s26, $0xb8;
	[tilespmem:$0x1F680] =	vst v63  }
0x3d: {  	_ =	swait.ge [sflag:s13], $0x4000  }
0x3e: {  	[sflag:s13] =	ssyncset.done $0x0  }
0x3f: {  	[sflag:s13] =	ssyncadd.s32 $0xFFFFC000  }
0x40: {  	[tilespmem:s3], [sflag:$0x2] =	stream.linear.gather [hbm4b:s9+s3], $0x1400, $0x38;
	[tilespmem:$0x1F680] =	vst v63  }
0x41: {  	s28 =	simm.s32 $0x10000;
	_ =	swait.ge [sflag:s13], $0x1400  }
0x42: {  	s22 =	sand.u32 $0x10000, s28;
	[sflag:s13] =	ssyncset.done $0x0  }
0x43: {  	s22 =	sshrl.u32 s22, $0x2;
	[sflag:s13] =	ssyncadd.s32 $0xFFFFEC00  }
0x44: {  	[tilespmem:s14], [sflag:$0x1] =	stream.indirect.gather [hbm4b:s4+s26], $0x80, s3, s26, $0xb8;
	[tilespmem:$0x1F680] =	vst v63  }
0x45: {  	s29 =	simm.s32 $0x0;
	s22 =	sor.u32 $0x3C00, s22  }
0x46: {  	[tilespmem:s22], [sflag:$0x1] =	stream.indirect.gather [hbm4b:s4+s15], $0x80, s26, s15, $0xb8;
	[tilespmem:$0x1F680] =	vst v63  }
0x47: {  	s30 =	simm.s32 $0x2800;
	s23 =	sand.u32 $0x10000, s29;
	_ =	swait.ge [sflag:s16], $0x4000  }
0x48: {  	s23 =	sshrl.u32 s23, $0x2;
	s21 =	simm.s32 $0x20000;
	[sflag:s16] =	ssyncset.done $0x0  }
0x49: {  	s23 =	sor.u32 $0x3C00, s23;
	s31 =	sand.u32 $0x10000, s21;
	[sflag:s16] =	ssyncadd.s32 $0xFFFFC000  }
0x4a: {  	[spmem:s2] =	stream.indirect.scatter.add.f32 [tilespmem:s23], [sflag:$0x2], $0x80, s30, s15, $0xb8;
	[tilespmem:$0x1F680] =	vst v63  }
0x4b: {  	s24 =	simm.s32 $0x30000;
	s25 =	sshrl.u32 s31, $0x2;
	_ =	swait.ge [sflag:s13], $0x4000  }
0x4c: {  	s22 =	simm.s32 $0x2880;
	s23 =	simm.s32 $0x100;
	[sflag:s13] =	ssyncset.done $0x0  }
.LBB2_4:
0x4d: {  	s25 =	sor.u32 $0x3C00, s25;
	s26 =	sadd.s32 $0xFFFF0000, s21  }
0x4e: {  	[sflag:s13] =	ssyncadd.s32 $0xFFFFC000;
	s21 =	smov.u32 s24;
	s28 =	sadd.s32 $0x10000, s24  }
0x4f: {  	[tilespmem:s25], [sflag:$0x1] =	stream.indirect.gather [hbm4b:s4+s15], $0x80, s23, s15, $0xb8;
	[tilespmem:$0x1F680] =	vst v63  }
0x50: {  	p0 =	sne.s32 s24, $0x270000;
	s25 =	sand.u32 $0x10000, s26;
	_ =	swait.ge [sflag:s16], $0x4000  }
.Ltmp1:
0x51: {  	s25 =	sshrl.u32 s25, $0x2;
	[sflag:s16] =	ssyncset.done $0x0;
	(pc) =	sbr.rel @p0 .LBB2_4-.Ltmp1, $4  }
0x52: {  	s23 =	sadd.s32 $0x80, s23;
	s24 =	sor.u32 $0x3C00, s25;
	[sflag:s16] =	ssyncadd.s32 $0xFFFFC000  }
0x53: {  	[spmem:s2] =	stream.indirect.scatter.add.f32 [tilespmem:s24], [sflag:$0x2], $0x80, s22, s15, $0xb8;
	[tilespmem:$0x1F680] =	vst v63  }
0x54: {  	s24 =	sand.u32 $0x10000, s21;
	s22 =	sadd.s32 $0x80, s22;
	_ =	swait.ge [sflag:s13], $0x4000  }
0x55: {  	s25 =	sshrl.u32 s24, $0x2;
	s24 =	smov.u32 s28;
	[sflag:s13] =	ssyncset.done $0x0  }
0x56: {  	s24 =	sor.u32 $0x3C00, s25;
	s21 =	sadd.s32 $0xFFFF0000, s21;
	[sflag:s13] =	ssyncadd.s32 $0xFFFFC000  }
0x57: {  	[tilespmem:s24], [sflag:$0x1] =	stream.indirect.gather [hbm4b:s4+s15], $0x80, s23, s15, $0xb8;
	[tilespmem:$0x1F680] =	vst v63  }
0x58: {  	s21 =	sand.u32 $0x10000, s21;
	_ =	swait.ge [sflag:s16], $0x4000  }
0x59: {  	s21 =	sshrl.u32 s21, $0x2;
	[sflag:s16] =	ssyncset.done $0x0  }
0x5a: {  	s21 =	sor.u32 $0x3C00, s21;
	[sflag:s16] =	ssyncadd.s32 $0xFFFFC000  }
0x5b: {  	[spmem:s2] =	stream.indirect.scatter.add.f32 [tilespmem:s21], [sflag:$0x2], $0x80, s22, s15, $0xb8;
	[tilespmem:$0x1F680] =	vst v63  }
0x5c: {  	_ =	swait.ge [sflag:s13], $0x4000  }
0x5d: {  	[sflag:s13] =	ssyncset.done $0x0  }
0x5e: {  	[sflag:s13] =	ssyncadd.s32 $0xFFFFC000  }
0x5f: {  	_ =	swait.ge [sflag:s16], $0x4000  }
0x60: {  	[sflag:s16] =	ssyncset.done $0x0  }
0x61: {  	[sflag:s16] =	ssyncadd.s32 $0xFFFFC000  }
0x62: {  	[spmem:s2] =	stream.indirect.scatter.add.f32 [tilespmem:s18], [sflag:$0x2], $0x80, s19, s15, $0xb8;
	[tilespmem:$0x1F680] =	vst v63  }
0x63: {  	_ =	swait.ge [sflag:s13], $0x4000  }
0x64: {  	s20 =	sadd.s32 $0x1, s20;
	[sflag:s13] =	ssyncset.done $0x0  }
0x65: {  	p0 =	sne.s32 s20, s11;
	[sflag:s13] =	ssyncadd.s32 $0xFFFFC000  }
.Ltmp2:
0x66: {  	[bflag:$0x0] =	sbarrier.arrive $0xFFFF;
	(pc) =	sbr.rel @p0 .LBB2_1-.Ltmp2, $4  }
0x67: {  	[hbm:s10], [sflag:s6] =	dma.local [spmem:s12], $0x2800  }
0x68: {  	_ =	swait.ge [sflag:s13], $0x2800  }
0x69: {  	[sflag:s13] =	ssyncset.done $0x0  }
0x6a: {  	[sflag:s13] =	ssyncadd.s32 $0xFFFFD800  }
0x6b: {  	_ =	sfence.sel $0x180000  }
0x6c: {  	[bflag:$0x0] =	sbarrier.arrive $0xFFFF  }
0x6d: {  	p0 =	sne.s32 s0, $0x0;
	_ =	strace $0x9000004A  }
0x6e: {  	s0 =	sadd.s32 @!p0 $0x100000, s1;
	[bflag:$0x2] =	sbarrier.arrive $0xFFFF  }
0x6f: {  	[sflag:s0] =	ssyncadd.tile.s32 @!p0 $0x1;
	_ =	shalt  }
.Lfunc_end2:
_tile_overlayer_lowered:
.L_overlay_start_2:
0x70: {  	(tag) =	ssettag $0x2  }
0x71: {  	s0 =	rddreg [dreg:$0x0];
	s2 =	stileid.u32  }
0x72: {  	s1 =	rddreg [dreg:$0x1];
	p0 =	sne.s32 s2, $0x0  }
0x73: {  	s3 =	rddreg [dreg:$0x2];
	[bflag:$0x3] =	sbarrier.arrive $0xFFFF;
	s2 =	simm.s32 @!p0 $0x1C02  }
0x74: {  	[timem:s3], [sflag:s2] =	dma.local @!p0 [hbm:s0], s1  }
0x75: {  	s0 =	simm.s32 @!p0 $0x2  }
0x76: {  	_ =	swait.ge @!p0 [sflag:s0], s1  }
0x77: {  	s1 =	ssub.s32 @!p0 $0x0, s1;
	[sflag:s0] =	ssyncset.done @!p0 $0x0  }
0x78: {  	[sflag:s0] =	ssyncadd.s32 @!p0 s1  }
0x79: {  	[bflag:$0x3] =	sbarrier.arrive $0xFFFF  }
0x7a: {  	_ =	shalt  }

// kernel: kernel.7.cloned.1.call-start
scs
__scs_entry_jumppad:
0x0: {  	(pc) =	sbr.rel $0x88, $3  }
0x1: {  	(tag) =	ssettag $0x0;
	lr =	simm.s32 $0x1  }
0x2: {  	[smem:$0x3F97] =	sst lr;
	_ =	strace $0xD0000000  }
0x3: {  	_ = 	snop  }
0x4: {  	_ = 	snop  }
0x5: {  	_ = 	snop  }
0x6: {  	_ = 	snop  }
0x7: {  	_ = 	snop  }
__scs_overlays_trampoline_lowered:
0x8: {  	[smem:$0x3FA6] =	sst s0  }
0x9: {  	[smem:$0x3FA7] =	sst s1  }
0xa: {  	[smem:$0x3FA8] =	sst s2  }
0xb: {  	[smem:$0x3FA9] =	sst s3  }
0xc: {  	[smem:$0x3FAA] =	sst s4  }
0xd: {  	[smem:$0x3FAB] =	sst s5  }
0xe: {  	[smem:$0x3FAC] =	sst s6  }
0xf: {  	[smem:$0x3FAD] =	sst s7  }
0x10: {  	[smem:$0x3FAE] =	sst s8  }
0x11: {  	[smem:$0x3FAF] =	sst s9;
	s0 =	simm.s32 @!p0 $0x0  }
0x12: {  	s1 =	sld [smem:$0x3F95];
	s0 =	simm.s32 @p0 $0x1  }
0x13: {  	[smem:$0x3FB0] =	sst s0;
	s0 =	simm.s32 @!p1 $0x0  }
0x14: {  	s2 =	sld [smem:$0x3F94];
	s0 =	simm.s32 @p1 $0x1  }
0x15: {  	[smem:$0x3FB1] =	sst s0;
	s0 =	simm.s32 @!p2 $0x0  }
0x16: {  	s3 =	sld [smem:$0x3FDB];
	s0 =	simm.s32 @p2 $0x1  }
0x17: {  	s4 =	simm.s32 $0x1BF5;
	[smem:$0x3FB3] =	sst s0  }
0x18: {  	s0 =	sld [smem:$0x3F96];
	_ =	swait.ge [sflag:s4], $0x0  }
0x19: {  	s7 =	sld [smem:$0x3F97]  }
0x1a: {  	s8 =	sadd.s32 $0xFFFFE003, lr  }
0x1b: {  	s9 =	sadd.s32 $0xFFFFFEF7, lr;
	s5 =	simm.s32 $0xFFFFFFFF;
	p2 =	slt.u32 s8, $0xFFFFF086  }
0x1c: {  	p1 =	slt.u32 s9, $0xF7A;
	s5 =	simm.s32 @!p2 $0x0  }
0x1d: {  	s5 =	simm.s32 @p1 $0x1;
	p0 =	seq.s32 s7, s2  }
0x1e: {  	s7 =	smul.u32 @!p0 $0xF7A, s2;
	p2 =	seq.s32 @!p0 s5, $0x0  }
0x1f: {  	s9 =	smul.u32 $0xF7A, s1;
	s8 =	simm.s32 @!p0 $0x1BF5;
	p2 =	por !p2, p0  }
0x20: {  	[sflag:s8] =	ssyncset.s32 @!p0 $0xFFFFF086;
	s6 =	sadd.s32 @!p0 s3, s7;
	s7 =	simm.s32 @!p0 $0x108  }
0x21: {  	s3 =	sadd.s32 s3, s9;
	s6 =	sadd.s32 @!p0 $0x88, s6;
	s7 =	simm.s32 @p2 $0x1082  }
0x22: {  	[simem:s7], [sflag:s8] =	dma.local @!p0 [hbm:s6], $0xF7A  }
0x23: {  	s9 =	sor.u32 $0xD0000000, s2;
	s6 =	simm.s32 $0x108;
	_ =	swait.ge @!p0 [sflag:s8], $0x0  }
0x24: {  	s3 =	sadd.s32 $0x88, s3;
	s6 =	simm.s32 @!p1 $0x1082;
	[sflag:s4] =	ssyncset.s32 $0xFFFFF086  }
0x25: {  	[simem:s6], [sflag:s4] =	dma.local [hbm:s3], $0xF7A  }
0x26: {  	[smem:$0x3F97] =	sst s1;
	(tag) =	ssettag s2;
	_ =	strace s9  }
0x27: {  	s1 =	sld [smem:$0x3FA7]  }
0x28: {  	s2 =	sld [smem:$0x3FA8]  }
0x29: {  	s4 =	sld [smem:$0x3FAA]  }
0x2a: {  	p0 =	seq.s32 s5, $0x0;
	s5 =	sld [smem:$0x3FAB]  }
0x2b: {  	s6 =	sld [smem:$0x3FAC]  }
0x2c: {  	s7 =	sld [smem:$0x3FAD]  }
0x2d: {  	s3 =	simm.s32 $0x108;
	s8 =	sld [smem:$0x3FAE]  }
0x2e: {  	s3 =	simm.s32 @!p0 $0x1082;
	s9 =	sld [smem:$0x3FAF]  }
0x2f: {  	lr =	sadd.s32 s0, s3;
	s0 =	sld [smem:$0x3FA6]  }
0x30: {  	s3 =	sld [smem:$0x3FA9]  }
0x31: {  	[smem:$0x3FB2] =	sst s10  }
0x32: {  	s10 =	sld [smem:$0x3FB0];
	_ =	sdelay $0x3  }
0x33: {  	p0 =	seq.s32 s10, $0x1;
	s10 =	sld [smem:$0x3FB2];
	_ =	sdelay $0x3  }
0x34: {  	[smem:$0x3FB2] =	sst s10  }
0x35: {  	s10 =	sld [smem:$0x3FB1];
	_ =	sdelay $0x3  }
0x36: {  	p1 =	seq.s32 s10, $0x1;
	s10 =	sld [smem:$0x3FB2];
	_ =	sdelay $0x3  }
0x37: {  	[smem:$0x3FB2] =	sst s10  }
0x38: {  	s10 =	sld [smem:$0x3FB3]  }
0x39: {  	_ = 	snop;
	(pc) =	sbr.ind lr, $3  }
0x3a: {  	_ = 	snop  }
0x3b: {  	_ = 	snop  }
0x3c: {  	p2 =	seq.s32 s10, $0x1;
	s10 =	sld [smem:$0x3FB2]  }
0x3d: {  	_ =	shalt  }
0x3e: {  	_ =	shalt  }
0x3f: {  	_ =	shalt  }
0x40: {  	_ =	shalt  }
0x41: {  	_ =	shalt  }
0x42: {  	_ =	shalt  }
0x43: {  	_ =	shalt  }
0x44: {  	_ =	shalt  }
0x45: {  	_ =	shalt  }
0x46: {  	_ =	shalt  }
0x47: {  	_ =	shalt  }
0x48: {  	_ =	shalt  }
0x49: {  	_ =	shalt  }
0x4a: {  	_ =	shalt  }
0x4b: {  	_ =	shalt  }
0x4c: {  	_ =	shalt  }
0x4d: {  	_ =	shalt  }
0x4e: {  	_ =	shalt  }
0x4f: {  	_ =	shalt  }
0x50: {  	_ =	shalt  }
0x51: {  	_ =	shalt  }
0x52: {  	_ =	shalt  }
0x53: {  	_ =	shalt  }
0x54: {  	_ =	shalt  }
0x55: {  	_ =	shalt  }
0x56: {  	_ =	shalt  }
0x57: {  	_ =	shalt  }
0x58: {  	_ =	shalt  }
0x59: {  	_ =	shalt  }
0x5a: {  	_ =	shalt  }
0x5b: {  	_ =	shalt  }
0x5c: {  	_ =	shalt  }
0x5d: {  	_ =	shalt  }
0x5e: {  	_ =	shalt  }
0x5f: {  	_ =	shalt  }
0x60: {  	_ =	shalt  }
0x61: {  	_ =	shalt  }
0x62: {  	_ =	shalt  }
0x63: {  	_ =	shalt  }
0x64: {  	_ =	shalt  }
0x65: {  	_ =	shalt  }
0x66: {  	_ =	shalt  }
0x67: {  	_ =	shalt  }
0x68: {  	_ =	shalt  }
0x69: {  	_ =	shalt  }
0x6a: {  	_ =	shalt  }
0x6b: {  	_ =	shalt  }
0x6c: {  	_ =	shalt  }
0x6d: {  	_ =	shalt  }
0x6e: {  	_ =	shalt  }
0x6f: {  	_ =	shalt  }
0x70: {  	_ =	shalt  }
0x71: {  	_ =	shalt  }
0x72: {  	_ =	shalt  }
0x73: {  	_ =	shalt  }
0x74: {  	_ =	shalt  }
0x75: {  	_ =	shalt  }
0x76: {  	_ =	shalt  }
0x77: {  	_ =	shalt  }
0x78: {  	_ =	shalt  }
0x79: {  	_ =	shalt  }
0x7a: {  	_ =	shalt  }
0x7b: {  	_ =	shalt  }
0x7c: {  	_ =	shalt  }
0x7d: {  	_ =	shalt  }
0x7e: {  	_ =	shalt  }
0x7f: {  	_ =	shalt  }
0x80: {  	_ =	shalt  }
0x81: {  	_ =	shalt  }
0x82: {  	_ =	shalt  }
0x83: {  	_ =	shalt  }
0x84: {  	_ =	shalt  }
0x85: {  	_ =	shalt  }
0x86: {  	_ =	shalt  }
0x87: {  	_ =	shalt  }
.Lfunc_end0:
.L_simem_size_0:
called_computation_lowered:
.L_overlay_start_0:
0x88: {  	s2 =	sld [smem:$0x3FD9]  }
0x89: {  	s3 =	sld [smem:$0x3FFE];
	_ =	sdelay $0x1  }
0x8a: {  	s1 =	srdreg.scid  }
0x8b: {  	s0 =	sand.u32 $0x1, s1  }
0x8c: {  	s17 =	sshll.u32 s0, $0xA;
	s2 =	sadd.s32 s3, s2  }
0x8d: {  	s2 =	sadd.s32 s2, s17  }
0x8e: {  	[smem:$0x3FBE] =	sst s2  }
0x8f: {  	_ = 	snop  }
0x90: {  	s2 =	sld [smem:$0x3FC9];
	(tm) =	ssettm $0x1  }
0x91: {  	s18 =	sld [smem:$0x3FFB];
	_ =	sdelay $0x3  }
0x92: {  	_ =	strace s18  }
0x93: {  	s3 =	sld [smem:$0x3FFC];
	_ =	sdelay $0x3  }
0x94: {  	_ =	strace s3  }
0x95: {  	s3 =	sld [smem:$0x3FFD];
	_ =	sdelay $0x3  }
0x96: {  	_ =	strace s3  }
0x97: {  	_ =	strace $0x8FFFFFFF  }
0x98: {  	s19 =	sld [smem:$0x3FDB];
	_ =	sdelay $0x1  }
0x99: {  	s4 =	simm.s32 $_scs_section_size  }
0x9a: {  	s5 =	simm.s32 $_size__tile_overlayer_lowered;
	s6 =	simm.s32 $_tile_overlayer_lowered  }
0x9b: {  	s22 =	simm.s32 $0x1BFF;
	s21 =	sshll.u32 s6, $0x1;
	s3 =	sadd.s32 s4, s19  }
0x9c: {  	s7 =	simm.s32 $0x0;
	s20 =	sshll.u32 s5, $0x1;
	s5 =	sadd.s32 s21, s3  }
0x9d: {  	[timem:s7], [sflag:s22] =	dma.local [hbm:s5], s20  }
0x9e: {  	_ =	swait.ge [sflag:s22], s20  }
0x9f: {  	s4 =	ssub.s32 $0x0, s20;
	[sflag:s22] =	ssyncset.done $0x0  }
0xa0: {  	[sflag:s22] =	ssyncadd.s32 s4;
	_ =	sdelay $0x1  }
0xa1: {  	s23 =	simm.s32 $0x1B8B  }
0xa2: {  	_ =	swait.ge [sflag:s23], $0x1  }
0xa3: {  	[sflag:s23] =	ssyncset.done $0x0  }
0xa4: {  	s25 =	simm.s32 $0x1B8E;
	s24 =	sld [smem:$0x3FFE];
	[sflag:s23] =	ssyncadd.s32 $0xFFFFFFFF  }
0xa5: {  	s26 =	simm.s32 $execute0_lowered;
	[smem:$0x3FD2] =	sst s25  }
0xa6: {  	s5 =	sshll.u32 s26, $0x1;
	_ =	strace $0x80000046;
	[dreg:$0x1] =	wrdreg $0xFFFFFFFF  }
0xa7: {  	s28 =	simm.s32 $_size_execute0_lowered;
	s3 =	sadd.s32 s3, s5;
	[dreg:$0x0] =	wrdreg $0x0  }
0xa8: {  	s5 =	sshll.u32 s28, $0x1;
	[dreg:$0x2] =	wrdreg s3  }
0xa9: {  	[dreg:$0x3] =	wrdreg s5  }
0xaa: {  	[dreg:$0x4] =	wrdreg $0xC0  }
0xab: {  	_ =	task [dreg:s7], $0x5FFFF  }
0xac: {  	[dreg:$0x1] =	wrdreg $0xFFFFFFFF  }
0xad: {  	[dreg:$0x0] =	wrdreg $0x60  }
0xae: {  	[dreg:$0x2] =	wrdreg s24  }
0xaf: {  	[dreg:$0x3] =	wrdreg s2  }
0xb0: {  	[dreg:$0x4] =	wrdreg $0x8C000  }
0xb1: {  	[dreg:$0x5] =	wrdreg $0x12C000  }
0xb2: {  	[dreg:$0x6] =	wrdreg $0x9  }
0xb3: {  	_ =	task.clear_ibuf [dreg:s7], $0x7FFFF;
	_ =	strace $0x90000046  }
0xb4: {  	s29 =	simm.s32 $0x9;
	_ =	strace $0x80000048  }
0xb5: {  	_ =	swait.ge [sflag:s29], $0x1  }
0xb6: {  	[sflag:s29] =	ssyncadd.s32 $0xFFFFFFFF  }
0xb7: {  	_ =	strace $0x90000048  }
0xb8: {  	_ =	sfence  }
0xb9: {  	s30 =	sld [smem:$0x0];
	_ =	sdelay $0x2  }
0xba: {  	s31 =	sshll.u32 s1, $0xD;
	s1 =	sshrl.u32 s1, $0x2  }
0xbb: {  	s3 =	sand.u32 $0x4000, s31;
	s1 =	sadd.s32 s1, s30  }
0xbc: {  	s0 =	sor.u32 s3, s0;
	s1 =	sshll.u32 s1, $0x11  }
0xbd: {  	s0 =	sor.u32 s1, s0  }
0xbe: {  	s0 =	sadd.s32 $0x8F2B, s0  }
0xbf: {  	[sflag:s0] =	ssyncadd.remote.s32 $0x1  }
0xc0: {  	_ =	sfence.sel $0xFFFF  }
0xc1: {  	[dreg:$0x0] =	wrdreg $0xFFFFFFFF;
	(pc) =	sbr.abs _section_cstart, $3  }
0xc2: {  	[dreg:$0x1] =	wrdreg $0xFFFFFFFF  }
0xc3: {  	_ =	task.clear_ibuf [dreg:s7], $0x2FFFF;
	_ =	strace $0x9FFFFFFF  }
0xc4: {  	(tm) =	ssettm $0x7FFFFFFF  }
0xc5: {  	_ =	shalt  }
tec
execute0_lowered:
.L_overlay_start_1:
0x0: {  	(tag) =	ssettag $0x1  }
0x1: {  	s6 =	rddreg [dreg:$0x0]  }
0x2: {  	s1 =	rddreg [dreg:$0x1]  }
0x3: {  	s2 =	srdreg.scid;
	s3 =	rddreg [dreg:$0x2]  }
0x4: {  	s0 =	stileid.u32;
	s4 =	rddreg [dreg:$0x3]  }
0x5: {  	s5 =	simm.s32 $0x0;
	s19 =	simm.s32 $0x3B80;
	s20 =	simm.s32 $0x4F80  }
0x6: {  	s21 =	simm.s32 $0x80;
	s22 =	simm.s32 $0x8B80;
	s8 =	smul.u32 $0x1400, s0  }
0x7: {  	s7 =	sand.u32 $0x1, s2;
	s2 =	rddreg [dreg:$0x4];
	s10 =	smul.u32 $0xA000, s0  }
0x8: {  	s23 =	simm.s32 $0x0;
	[smem:$0x7FF] =	sst s5;
	s9 =	smul.u32 $0x14000, s7  }
0x9: {  	s26 =	sadd.s32 $0x11200, s6;
	s30 =	sshll.u32 s0, $0x6;
	s11 =	smul.u32 $0x9C400, s7  }
0xa: {  	_ =	strace $0x80000047;
	s12 =	smul.u32 $0x13880, s7;
	s7 =	ssub.s32 $0x2, s7  }
0xb: {  	s25 =	smin.u32 s10, $0x92400;
	s28 =	sshrl.u32 s7, $0x1;
	s9 =	sadd.s32 s8, s9  }
0xc: {  	s8 =	smin.u32 s8, $0x12480;
	s11 =	sadd.s32 s11, s25;
	s16 =	ssub.s32 s7, s28  }
0xd: {  	s17 =	sadd.s32 s25, s3;
	s29 =	sshrl.u32 s25, $0x3;
	s7 =	sor.u32 $0x1C01, s30  }
0xe: {  	s9 =	sshrl.u32 s9, $0x3;
	s12 =	sadd.s32 s12, s8;
	s11 =	sshrl.u32 s11, $0x3  }
0xf: {  	s31 =	sshrl.u32 s8, $0x3;
	s18 =	sadd.s32 s8, s4;
	s13 =	sadd.s32 s9, s6  }
0x10: {  	s12 =	sshrl.u32 s12, $0x3;
	s14 =	sadd.s32 s11, s6;
	s8 =	sadd.s32 s26, s31  }
0x11: {  	s15 =	sadd.s32 s12, s6;
	s6 =	sadd.s32 s26, s29;
	s9 =	sadd.s32 $0x7200, s13  }
0x12: {  	s10 =	sadd.s32 $0xC200, s13;
	s11 =	sadd.s32 $0x2200, s13;
	s12 =	sadd.s32 $0x24C00, s14  }
0x13: {  	s14 =	smax.u32 s16, $0x1;
	s16 =	simm.s32 $0x1;
	s13 =	sadd.s32 $0x4BE00, s15  }
0x14: {  	v0 =	vimm.f32 $1.000000000e+00;
	s15 =	sshrl.u32 s17, $0x3;
	s17 =	sshrl.u32 s18, $0x3;
	s18 =	simm.s32 $0x2780  }
.LBB2_1:
0x15: {  	[spmem:s15], [sflag:s7] =	dma.local [hbm:s6], $0x1400  }
0x16: {  	_ =	swait.ge [sflag:s16], $0x1400  }
0x17: {  	[sflag:s16] =	ssyncset.done $0x0  }
0x18: {  	[sflag:s16] =	ssyncadd.s32 $0xFFFFEC00  }
0x19: {  	[spmem:s17], [sflag:s7] =	dma.local [hbm:s8], $0x280  }
0x1a: {  	_ =	swait.ge [sflag:s16], $0x280  }
0x1b: {  	[sflag:s16] =	ssyncset.done $0x0  }
0x1c: {  	[sflag:s16] =	ssyncadd.s32 $0xFFFFFD80  }
0x1d: {  	[tilespmem:s5], [sflag:$0x1] =	stream.linear.gather [hbm4b:s1+s5], $0x2780, $0x38;
	[tilespmem:$0x14000] =	vst v63  }
0x1e: {  	_ =	swait.ge [sflag:s16], $0x2780  }
0x1f: {  	[sflag:s16] =	ssyncset.done $0x0  }
0x20: {  	[sflag:s16] =	ssyncadd.s32 $0xFFFFD880  }
0x21: {  	[tilespmem:s18], [sflag:$0x1] =	stream.linear.gather [hbm4b:s9+s5], $0x1400, $0x38;
	[tilespmem:$0x14000] =	vst v63  }
0x22: {  	_ =	swait.ge [sflag:s16], $0x1400  }
0x23: {  	[sflag:s16] =	ssyncset.done $0x0  }
0x24: {  	[sflag:s16] =	ssyncadd.s32 $0xFFFFEC00  }
0x25: {  	[tilespmem:s19], [sflag:$0x1] =	stream.linear.gather [hbm4b:s10+s5], $0x1400, $0x38;
	[tilespmem:$0x14000] =	vst v63  }
0x26: {  	_ =	swait.ge [sflag:s16], $0x1400  }
0x27: {  	[sflag:s16] =	ssyncset.done $0x0  }
0x28: {  	[sflag:s16] =	ssyncadd.s32 $0xFFFFEC00  }
0x29: {  	[tilespmem:s20], [sflag:$0x1] =	stream.linear.gather [hbm4b:s11+s5], $0x1400, $0x38;
	[tilespmem:$0x14000] =	vst v63  }
0x2a: {  	_ =	swait.ge [sflag:s16], $0x1400  }
0x2b: {  	[sflag:s16] =	ssyncset.done $0x0  }
0x2c: {  	[sflag:s16] =	ssyncadd.s32 $0xFFFFEC00  }
0x2d: {  	[tilespmem:$0x8B80] =	vst v0  }
0x2e: {  	[tilespmem:$0x8B90] =	vst v0  }
0x2f: {  	[tilespmem:$0x8BA0] =	vst v0  }
0x30: {  	[tilespmem:$0x8BB0] =	vst v0  }
0x31: {  	[tilespmem:$0x8BC0] =	vst v0  }
0x32: {  	[tilespmem:$0x8BD0] =	vst v0  }
0x33: {  	[tilespmem:$0x8BE0] =	vst v0  }
0x34: {  	s24 =	simm.s32 $0x0;
	[tilespmem:$0x8BF0] =	vst v0  }
0x35: {  	v1 =	vld [tilespmem:s24+$0x2780];
	_ =	sdelay $0x4  }
0x36: {  	v2 =	vld [tilespmem:s24+$0x3B80]  }
0x37: {  	v3 =	vld [tilespmem:s24+$0x4F80]  }
0x38: {  	v4 =	vld [tilespmem:s24+$0x2790]  }
0x39: {  	v1 =	vld.idx.msk [tilespmem:v1+s5+$0x0], $0xffff;
	_ =	sdelay $0x1  }
0x3a: {  	v5 =	vshll.u32 v2, $0x3  }
0x3b: {  	v3 =	vadd.s32 v3, v5  }
0x3c: {  	v2 =	vshll.u32 v2, $0x6;
	[tilespmem:s24+$0x7780] =	vst v3;
	v3 =	vld [tilespmem:s24+$0x3B90]  }
0x3d: {  	v5 =	vld [tilespmem:s24+$0x4F90];
	v1 =	vadd.s32 v1, v2  }
0x3e: {  	[tilespmem:s24+$0x6380] =	vst v1;
	v1 =	vld [tilespmem:s24+$0x27A0]  }
0x3f: {  	v2 =	vld.idx.msk [tilespmem:v4+s5+$0x0], $0xffff;
	_ =	sdelay $0x1  }
0x40: {  	v4 =	vshll.u32 v3, $0x3  }
0x41: {  	v4 =	vadd.s32 v5, v4  }
0x42: {  	v3 =	vshll.u32 v3, $0x6;
	[tilespmem:s24+$0x7790] =	vst v4;
	v4 =	vld [tilespmem:s24+$0x4FA0]  }
0x43: {  	v2 =	vadd.s32 v2, v3;
	v3 =	vld [tilespmem:s24+$0x3BA0]  }
0x44: {  	[tilespmem:s24+$0x6390] =	vst v2;
	v2 =	vld [tilespmem:s24+$0x27B0]  }
0x45: {  	v1 =	vld.idx.msk [tilespmem:v1+s5+$0x0], $0xffff;
	_ =	sdelay $0x2  }
0x46: {  	v5 =	vshll.u32 v3, $0x3  }
0x47: {  	v3 =	vshll.u32 v3, $0x6;
	v4 =	vadd.s32 v4, v5;
	v5 =	vld [tilespmem:s24+$0x4FB0]  }
0x48: {  	[tilespmem:s24+$0x77A0] =	vst v4;
	v1 =	vadd.s32 v1, v3;
	v3 =	vld [tilespmem:s24+$0x3BB0]  }
0x49: {  	[tilespmem:s24+$0x63A0] =	vst v1;
	v1 =	vld [tilespmem:s24+$0x27C0]  }
0x4a: {  	v2 =	vld.idx.msk [tilespmem:v2+s5+$0x0], $0xffff;
	_ =	sdelay $0x2  }
0x4b: {  	v4 =	vshll.u32 v3, $0x3  }
0x4c: {  	v3 =	vshll.u32 v3, $0x6;
	v4 =	vadd.s32 v5, v4;
	v5 =	vld [tilespmem:s24+$0x4FC0]  }
0x4d: {  	[tilespmem:s24+$0x77B0] =	vst v4;
	v2 =	vadd.s32 v2, v3;
	v3 =	vld [tilespmem:s24+$0x3BC0]  }
0x4e: {  	[tilespmem:s24+$0x63B0] =	vst v2;
	v2 =	vld [tilespmem:s24+$0x27D0]  }
0x4f: {  	v1 =	vld.idx.msk [tilespmem:v1+s5+$0x0], $0xffff;
	_ =	sdelay $0x2  }
0x50: {  	v4 =	vshll.u32 v3, $0x3  }
0x51: {  	v3 =	vshll.u32 v3, $0x6;
	v4 =	vadd.s32 v5, v4;
	v5 =	vld [tilespmem:s24+$0x4FD0]  }
0x52: {  	[tilespmem:s24+$0x77C0] =	vst v4;
	v1 =	vadd.s32 v1, v3;
	v3 =	vld [tilespmem:s24+$0x3BD0]  }
0x53: {  	v4 =	vld [tilespmem:s24+$0x27E0];
	[tilespmem:s24+$0x63C0] =	vst v1  }
0x54: {  	v1 =	vld.idx.msk [tilespmem:v2+s5+$0x0], $0xffff;
	_ =	sdelay $0x2  }
0x55: {  	v2 =	vshll.u32 v3, $0x3  }
0x56: {  	v3 =	vshll.u32 v3, $0x6;
	v5 =	vadd.s32 v5, v2;
	v2 =	vld [tilespmem:s24+$0x4FE0]  }
0x57: {  	[tilespmem:s24+$0x77D0] =	vst v5;
	v1 =	vadd.s32 v1, v3;
	v3 =	vld [tilespmem:s24+$0x3BE0]  }
0x58: {  	[tilespmem:s24+$0x63D0] =	vst v1;
	v1 =	vld [tilespmem:s24+$0x27F0]  }
0x59: {  	s25 =	simm.s32 $0x200;
	s26 =	simm.s32 $0x400;
	v4 =	vld.idx.msk [tilespmem:v4+s5+$0x0], $0xffff  }
.LBB2_2:
0x5a: {  	p0 =	sne.s32 s26, $0x4E00;
	v5 =	vld [tilespmem:s24+$0x3BF0]  }
0x5b: {  	v6 =	vld [tilespmem:s24+$0x4FF0];
	_ =	sdelay $0x1  }
0x5c: {  	v7 =	vshll.u32 v3, $0x3  }
0x5d: {  	v3 =	vshll.u32 v3, $0x6;
	v2 =	vadd.s32 v2, v7  }
0x5e: {  	s28 =	sshra.s32 s25, $0x2;
	s25 =	smov.u32 s26;
	v3 =	vadd.s32 v4, v3;
	[tilespmem:s24+$0x77E0] =	vst v2;
	v2 =	vshll.u32 v5, $0x3  }
0x5f: {  	v4 =	vld [tilespmem:s28+$0x2780];
	[tilespmem:s24+$0x63E0] =	vst v3;
	v2 =	vadd.s32 v6, v2  }
0x60: {  	v1 =	vld.idx.msk [tilespmem:v1+s5+$0x0], $0xffff;
	[tilespmem:s24+$0x77F0] =	vst v2  }
0x61: {  	v2 =	vld [tilespmem:s28+$0x3B80]  }
0x62: {  	v3 =	vld [tilespmem:s28+$0x4F80];
	_ =	sdelay $0x2  }
0x63: {  	v5 =	vshll.u32 v5, $0x6  }
0x64: {  	v1 =	vadd.s32 v1, v5;
	v6 =	vshll.u32 v2, $0x3  }
0x65: {  	v3 =	vadd.s32 v3, v6;
	v5 =	vld [tilespmem:s28+$0x2790];
	[tilespmem:s24+$0x63F0] =	vst v1;
	s24 =	smov.u32 s28  }
0x66: {  	v1 =	vld.idx.msk [tilespmem:v4+s5+$0x0], $0xffff;
	[tilespmem:s24+$0x7780] =	vst v3  }
0x67: {  	v3 =	vld [tilespmem:s24+$0x3B90]  }
0x68: {  	v4 =	vld [tilespmem:s24+$0x4F90];
	_ =	sdelay $0x2  }
0x69: {  	v2 =	vshll.u32 v2, $0x6  }
0x6a: {  	v1 =	vadd.s32 v1, v2;
	v2 =	vshll.u32 v3, $0x3  }
0x6b: {  	[tilespmem:s24+$0x6380] =	vst v1;
	v1 =	vadd.s32 v4, v2;
	v2 =	vld [tilespmem:s24+$0x27A0]  }
0x6c: {  	v4 =	vld.idx.msk [tilespmem:v5+s5+$0x0], $0xffff;
	[tilespmem:s24+$0x7790] =	vst v1;
	_ =	sdelay $0x4  }
0x6d: {  	v1 =	vshll.u32 v3, $0x6;
	v3 =	vld [tilespmem:s24+$0x4FA0]  }
0x6e: {  	v1 =	vadd.s32 v4, v1;
	v4 =	vld [tilespmem:s24+$0x3BA0]  }
0x6f: {  	[tilespmem:s24+$0x6390] =	vst v1;
	v1 =	vld [tilespmem:s24+$0x27B0]  }
0x70: {  	v2 =	vld.idx.msk [tilespmem:v2+s5+$0x0], $0xffff;
	_ =	sdelay $0x3  }
0x71: {  	v5 =	vshll.u32 v4, $0x3  }
0x72: {  	v4 =	vshll.u32 v4, $0x6;
	v3 =	vadd.s32 v3, v5;
	v5 =	vld [tilespmem:s24+$0x4FB0]  }
0x73: {  	v2 =	vadd.s32 v2, v4;
	[tilespmem:s24+$0x77A0] =	vst v3;
	v3 =	vld [tilespmem:s24+$0x3BB0]  }
0x74: {  	[tilespmem:s24+$0x63A0] =	vst v2;
	v2 =	vld [tilespmem:s24+$0x27C0]  }
0x75: {  	v1 =	vld.idx.msk [tilespmem:v1+s5+$0x0], $0xffff;
	_ =	sdelay $0x3  }
0x76: {  	v4 =	vshll.u32 v3, $0x3  }
0x77: {  	v3 =	vshll.u32 v3, $0x6;
	v4 =	vadd.s32 v5, v4;
	v5 =	vld [tilespmem:s24+$0x4FC0]  }
0x78: {  	v1 =	vadd.s32 v1, v3;
	[tilespmem:s24+$0x77B0] =	vst v4;
	v3 =	vld [tilespmem:s24+$0x3BC0]  }
0x79: {  	[tilespmem:s24+$0x63B0] =	vst v1;
	v1 =	vld [tilespmem:s24+$0x27D0]  }
0x7a: {  	v2 =	vld.idx.msk [tilespmem:v2+s5+$0x0], $0xffff;
	_ =	sdelay $0x3  }
0x7b: {  	v4 =	vshll.u32 v3, $0x3  }
0x7c: {  	v3 =	vshll.u32 v3, $0x6;
	v4 =	vadd.s32 v5, v4;
	v5 =	vld [tilespmem:s24+$0x4FD0]  }
0x7d: {  	v2 =	vadd.s32 v2, v3;
	[tilespmem:s24+$0x77C0] =	vst v4;
	v3 =	vld [tilespmem:s24+$0x3BD0]  }
0x7e: {  	[tilespmem:s24+$0x63C0] =	vst v2;
	v4 =	vld [tilespmem:s24+$0x27E0]  }
0x7f: {  	v1 =	vld.idx.msk [tilespmem:v1+s5+$0x0], $0xffff;
	_ =	sdelay $0x3  }
.Ltmp0:
0x80: {  	v2 =	vshll.u32 v3, $0x3;
	(pc) =	sbr.rel @p0 .LBB2_2-.Ltmp0, $4  }
0x81: {  	v3 =	vshll.u32 v3, $0x6;
	v5 =	vadd.s32 v5, v2;
	v2 =	vld [tilespmem:s24+$0x4FE0]  }
0x82: {  	v1 =	vadd.s32 v1, v3;
	[tilespmem:s24+$0x77D0] =	vst v5;
	v3 =	vld [tilespmem:s24+$0x3BE0]  }
0x83: {  	[tilespmem:s24+$0x63D0] =	vst v1;
	v1 =	vld [tilespmem:s24+$0x27F0]  }
0x84: {  	s26 =	sadd.s32 $0x200, s26;
	v4 =	vld.idx.msk [tilespmem:v4+s5+$0x0], $0xffff  }
0x85: {  	_ =	sdelay $0x2  }
0x86: {  	v5 =	vld [tilespmem:s24+$0x3BF0];
	v6 =	vshll.u32 v3, $0x3  }
0x87: {  	v7 =	vld [tilespmem:s24+$0x4FF0];
	v3 =	vshll.u32 v3, $0x6;
	v2 =	vadd.s32 v2, v6  }
0x88: {  	s25 =	sshra.s32 s25, $0x2;
	[tilespmem:s24+$0x77E0] =	vst v2;
	v2 =	vadd.s32 v4, v3  }
0x89: {  	v3 =	vld [tilespmem:s25+$0x2780];
	[tilespmem:s24+$0x63E0] =	vst v2  }
0x8a: {  	v1 =	vld.idx.msk [tilespmem:v1+s5+$0x0], $0xffff  }
0x8b: {  	v2 =	vshll.u32 v5, $0x3  }
0x8c: {  	v2 =	vadd.s32 v7, v2  }
0x8d: {  	[tilespmem:s24+$0x77F0] =	vst v2  }
0x8e: {  	v5 =	vshll.u32 v5, $0x6;
	v2 =	vld [tilespmem:s25+$0x3B80]  }
0x8f: {  	v49 =	vld [tilespmem:s25+$0x4F80];
	v1 =	vadd.s32 v1, v5  }
0x90: {  	v50 =	vld [tilespmem:s25+$0x2790];
	[tilespmem:s24+$0x63F0] =	vst v1  }
0x91: {  	v1 =	vld.idx.msk [tilespmem:v3+s5+$0x0], $0xffff;
	_ =	sdelay $0x2  }
0x92: {  	v3 =	vshll.u32 v2, $0x3  }
0x93: {  	v51 =	vld [tilespmem:s25+$0x3B90];
	v2 =	vshll.u32 v2, $0x6;
	v3 =	vadd.s32 v49, v3  }
0x94: {  	[tilespmem:s25+$0x7780] =	vst v3;
	v3 =	vld [tilespmem:s25+$0x4F90];
	v1 =	vadd.s32 v1, v2  }
0x95: {  	[tilespmem:s25+$0x6380] =	vst v1;
	v1 =	vld [tilespmem:s25+$0x27A0]  }
0x96: {  	v2 =	vld.idx.msk [tilespmem:v50+s5+$0x0], $0xffff;
	_ =	sdelay $0x2  }
0x97: {  	v52 =	vshll.u32 v51, $0x3  }
0x98: {  	v53 =	vld [tilespmem:s25+$0x4FA0];
	v4 =	vshll.u32 v51, $0x6;
	v3 =	vadd.s32 v3, v52  }
0x99: {  	[tilespmem:s25+$0x7790] =	vst v3;
	v3 =	vld [tilespmem:s25+$0x3BA0];
	v2 =	vadd.s32 v2, v4  }
0x9a: {  	[tilespmem:s25+$0x6390] =	vst v2;
	v2 =	vld [tilespmem:s25+$0x27B0]  }
0x9b: {  	v1 =	vld.idx.msk [tilespmem:v1+s5+$0x0], $0xffff;
	_ =	sdelay $0x2  }
0x9c: {  	v54 =	vshll.u32 v3, $0x3  }
0x9d: {  	v55 =	vld [tilespmem:s25+$0x4FB0];
	v3 =	vshll.u32 v3, $0x6;
	v4 =	vadd.s32 v53, v54  }
0x9e: {  	[tilespmem:s25+$0x77A0] =	vst v4;
	v1 =	vadd.s32 v1, v3;
	v3 =	vld [tilespmem:s25+$0x3BB0]  }
0x9f: {  	[tilespmem:s25+$0x63A0] =	vst v1;
	v1 =	vld [tilespmem:s25+$0x27C0]  }
0xa0: {  	v2 =	vld.idx.msk [tilespmem:v2+s5+$0x0], $0xffff;
	_ =	sdelay $0x2  }
0xa1: {  	v56 =	vshll.u32 v3, $0x3  }
0xa2: {  	v57 =	vld [tilespmem:s25+$0x4FC0];
	v3 =	vshll.u32 v3, $0x6;
	v4 =	vadd.s32 v55, v56  }
0xa3: {  	v2 =	vadd.s32 v2, v3;
	[tilespmem:s25+$0x77B0] =	vst v4;
	v3 =	vld [tilespmem:s25+$0x3BC0]  }
0xa4: {  	[tilespmem:s25+$0x63B0] =	vst v2;
	v2 =	vld [tilespmem:s25+$0x27D0]  }
0xa5: {  	v1 =	vld.idx.msk [tilespmem:v1+s5+$0x0], $0xffff;
	_ =	sdelay $0x2  }
0xa6: {  	v58 =	vshll.u32 v3, $0x3  }
0xa7: {  	v59 =	vld [tilespmem:s25+$0x4FD0];
	v3 =	vshll.u32 v3, $0x6;
	v4 =	vadd.s32 v57, v58  }
0xa8: {  	v1 =	vadd.s32 v1, v3;
	[tilespmem:s25+$0x77C0] =	vst v4;
	v3 =	vld [tilespmem:s25+$0x3BD0]  }
0xa9: {  	[tilespmem:s25+$0x63C0] =	vst v1;
	v1 =	vld [tilespmem:s25+$0x27E0]  }
0xaa: {  	v2 =	vld.idx.msk [tilespmem:v2+s5+$0x0], $0xffff;
	_ =	sdelay $0x2  }
0xab: {  	v60 =	vshll.u32 v3, $0x3  }
0xac: {  	v61 =	vld [tilespmem:s25+$0x4FE0];
	v3 =	vshll.u32 v3, $0x6;
	v4 =	vadd.s32 v59, v60  }
0xad: {  	v2 =	vadd.s32 v2, v3;
	[tilespmem:s25+$0x77D0] =	vst v4;
	v3 =	vld [tilespmem:s25+$0x3BE0]  }
0xae: {  	[tilespmem:s25+$0x63D0] =	vst v2;
	v2 =	vld [tilespmem:s25+$0x27F0]  }
0xaf: {  	v1 =	vld.idx.msk [tilespmem:v1+s5+$0x0], $0xffff;
	_ =	sdelay $0x2  }
0xb0: {  	v62 =	vshll.u32 v3, $0x3  }
0xb1: {  	v3 =	vshll.u32 v3, $0x6;
	v4 =	vadd.s32 v61, v62  }
0xb2: {  	v63 =	vld [tilespmem:s25+$0x3BF0];
	v1 =	vadd.s32 v1, v3;
	[tilespmem:s25+$0x77E0] =	vst v4  }
0xb3: {  	v3 =	vld [tilespmem:s25+$0x4FF0];
	[tilespmem:s25+$0x63E0] =	vst v1  }
0xb4: {  	v1 =	vld.idx.msk [tilespmem:v2+s5+$0x0], $0xffff;
	_ =	sdelay $0x2  }
0xb5: {  	v2 =	vshll.u32 v63, $0x3  }
0xb6: {  	v2 =	vadd.s32 v3, v2;
	v3 =	vshll.u32 v63, $0x6  }
0xb7: {  	[tilespmem:s25+$0x77F0] =	vst v2;
	v1 =	vadd.s32 v1, v3  }
0xb8: {  	[tilespmem:s25+$0x63F0] =	vst v1  }
0xb9: {  	s30 =	simm.s32 $0x6380;
	[bflag:$0x0] =	sbarrier.arrive $0xFFFF  }
0xba: {  	[spmem:s3] =	stream.indirect.scatter.add.f32 [tilespmem:s22], [sflag:$0x1], $0x1, s30, s21, $0xb8;
	[tilespmem:$0x14000] =	vst v63  }
0xbb: {  	_ =	swait.ge [sflag:s16], $0x80  }
0xbc: {  	[sflag:s16] =	ssyncset.done $0x0  }
0xbd: {  	s31 =	simm.s32 $0x7780;
	[sflag:s16] =	ssyncadd.s32 $0xFFFFFF80  }
0xbe: {  	[spmem:s4] =	stream.indirect.scatter.add.f32 [tilespmem:s22], [sflag:$0x1], $0x1, s31, s21, $0xb8;
	[tilespmem:$0x14000] =	vst v63  }
0xbf: {  	_ =	swait.ge [sflag:s16], $0x80  }
0xc0: {  	s24 =	simm.s32 $0x80;
	s25 =	simm.s32 $0x400;
	[sflag:s16] =	ssyncset.done $0x0  }
.LBB2_4:
0xc1: {  	s26 =	sadd.s32 $0x6380, s24  }
0xc2: {  	[sflag:s16] =	ssyncadd.s32 $0xFFFFFF80;
	s28 =	smov.u32 s25;
	s29 =	sadd.s32 $0x200, s25  }
0xc3: {  	[spmem:s3] =	stream.indirect.scatter.add.f32 [tilespmem:s22], [sflag:$0x1], $0x1, s26, s21, $0xb8;
	[tilespmem:$0x14000] =	vst v63  }
0xc4: {  	p0 =	sne.s32 s25, $0x4E00;
	_ =	swait.ge [sflag:s16], $0x80  }
.Ltmp1:
0xc5: {  	[sflag:s16] =	ssyncset.done $0x0;
	(pc) =	sbr.rel @p0 .LBB2_4-.Ltmp1, $4  }
0xc6: {  	s24 =	sadd.s32 $0x7780, s24;
	[sflag:s16] =	ssyncadd.s32 $0xFFFFFF80  }
0xc7: {  	[spmem:s4] =	stream.indirect.scatter.add.f32 [tilespmem:s22], [sflag:$0x1], $0x1, s24, s21, $0xb8;
	[tilespmem:$0x14000] =	vst v63  }
0xc8: {  	_ =	swait.ge [sflag:s16], $0x80  }
0xc9: {  	s25 =	smov.u32 s29;
	s24 =	sshra.s32 s28, $0x2;
	[sflag:s16] =	ssyncset.done $0x0  }
0xca: {  	s25 =	sadd.s32 $0x6380, s24;
	[sflag:s16] =	ssyncadd.s32 $0xFFFFFF80  }
0xcb: {  	[spmem:s3] =	stream.indirect.scatter.add.f32 [tilespmem:s22], [sflag:$0x1], $0x1, s25, s21, $0xb8;
	[tilespmem:$0x14000] =	vst v63  }
0xcc: {  	_ =	swait.ge [sflag:s16], $0x80  }
0xcd: {  	[sflag:s16] =	ssyncset.done $0x0  }
0xce: {  	s31 =	sadd.s32 $0x7780, s24;
	[sflag:s16] =	ssyncadd.s32 $0xFFFFFF80  }
0xcf: {  	[spmem:s4] =	stream.indirect.scatter.add.f32 [tilespmem:s22], [sflag:$0x1], $0x1, s31, s21, $0xb8;
	[tilespmem:$0x14000] =	vst v63  }
0xd0: {  	_ =	swait.ge [sflag:s16], $0x80  }
0xd1: {  	[sflag:s16] =	ssyncset.done $0x0  }
0xd2: {  	[sflag:s16] =	ssyncadd.s32 $0xFFFFFF80  }
0xd3: {  	[bflag:$0x0] =	sbarrier.arrive $0xFFFF  }
0xd4: {  	[hbm:s12], [sflag:s7] =	dma.local [spmem:s15], $0x1400  }
0xd5: {  	s23 =	sadd.s32 $0x1, s23;
	_ =	swait.ge [sflag:s16], $0x1400  }
0xd6: {  	p0 =	sne.s32 s23, s14;
	[sflag:s16] =	ssyncset.done $0x0  }
.Ltmp2:
0xd7: {  	[sflag:s16] =	ssyncadd.s32 $0xFFFFEC00;
	(pc) =	sbr.rel @p0 .LBB2_1-.Ltmp2, $4  }
0xd8: {  	[hbm:s13], [sflag:s7] =	dma.local [spmem:s17], $0x280  }
0xd9: {  	_ =	swait.ge [sflag:s16], $0x280  }
0xda: {  	[sflag:s16] =	ssyncset.done $0x0  }
0xdb: {  	[sflag:s16] =	ssyncadd.s32 $0xFFFFFD80  }
0xdc: {  	_ =	sfence.sel $0x180000  }
0xdd: {  	[bflag:$0x0] =	sbarrier.arrive $0xFFFF  }
0xde: {  	p0 =	sne.s32 s0, $0x0;
	_ =	strace $0x90000047  }
0xdf: {  	s0 =	sadd.s32 @!p0 $0x100000, s2;
	[bflag:$0x2] =	sbarrier.arrive $0xFFFF  }
0xe0: {  	[sflag:s0] =	ssyncadd.tile.s32 @!p0 $0x1;
	_ =	shalt  }
.Lfunc_end2:
_tile_overlayer_lowered:
.L_overlay_start_2:
0xe1: {  	(tag) =	ssettag $0x2  }
0xe2: {  	s0 =	rddreg [dreg:$0x0];
	s2 =	stileid.u32  }
0xe3: {  	s1 =	rddreg [dreg:$0x1];
	p0 =	sne.s32 s2, $0x0  }
0xe4: {  	s3 =	rddreg [dreg:$0x2];
	[bflag:$0x3] =	sbarrier.arrive $0xFFFF;
	s2 =	simm.s32 @!p0 $0x1C01  }
0xe5: {  	[timem:s3], [sflag:s2] =	dma.local @!p0 [hbm:s0], s1  }
0xe6: {  	s0 =	simm.s32 @!p0 $0x1  }
0xe7: {  	_ =	swait.ge @!p0 [sflag:s0], s1  }
0xe8: {  	s1 =	ssub.s32 @!p0 $0x0, s1;
	[sflag:s0] =	ssyncset.done @!p0 $0x0  }
0xe9: {  	[sflag:s0] =	ssyncadd.s32 @!p0 s1  }
0xea: {  	[bflag:$0x3] =	sbarrier.arrive $0xFFFF  }
0xeb: {  	_ =	shalt  }

</sc_bundles>
